<compile_context>
chip_gen: v7x
topology: tpu7x:2x2x1
jax: 0.10.2.dev20260603
libtpu: 0.0.44.dev20260713+nightly
codegen_flags: <defaults>
</compile_context>

<pallas_src>
import functools

import jax
import jax.numpy as jnp
from jax import lax
from jax.experimental import pallas as pl
from jax.experimental.pallas import tpu as pltpu
from jax.experimental.pallas import tpu_sc as plsc

_NC = 2
_NS = 16
_NW = _NC * _NS
_L = 16

_N = 16384 * 100
_K = 25
_CH = 1280
_COLS_PER_W = _N // _NW
_CHUNKS_PER_W = _COLS_PER_W // _CH


_UNROLL = 8


def _scatter_val(out_buf, idx_buf, val_vec):
    iota = lax.iota(jnp.int32, _L)

    def body(i, _):
        base = i * (_L * _UNROLL)
        for u in range(_UNROLL):
            iv = idx_buf[pl.ds(base + u * _L, _L)]
            rvec = (base + u * _L) + iota
            plsc.store_scatter(out_buf, [iv, rvec], val_vec)
        return 0

    lax.fori_loop(0, _CH // _L // _UNROLL, body, 0)


def _one_hot_sc(idx_hbm, out_hbm, ob0, ob1, ib0, ib1, ib2, ib3,
                osem0, osem1, isem0, isem1, isem2, isem3):
    obufs = [ob0, ob1]
    ibufs = [ib0, ib1, ib2, ib3]
    osems = [osem0, osem1]
    isems = [isem0, isem1, isem2, isem3]

    wid = lax.axis_index("s") * _NC + lax.axis_index("c")
    col0 = wid * _COLS_PER_W

    ones = jnp.full((_L,), 1.0, jnp.float32)
    zeros = jnp.zeros((_L,), jnp.float32)

    def zbody(j, _):
        for c in range(_K):
            ob0[c, pl.ds(j * _L, _L)] = zeros
            ob1[c, pl.ds(j * _L, _L)] = zeros
        return 0

    lax.fori_loop(0, _CH // _L, zbody, 0)

    def idx_dma(g, b):
        return pltpu.make_async_copy(
            idx_hbm.at[pl.ds(col0 + g * _CH, _CH)], ibufs[b], isems[b])

    def out_dma(g, b):
        return pltpu.make_async_copy(
            obufs[b], out_hbm.at[:, pl.ds(col0 + g * _CH, _CH)], osems[b])

    idx_dma(0, 0).start()
    idx_dma(1, 1).start()

    def outer(o, _):
        for b in range(4):
            g = o * 4 + b
            b2 = b % 2
            bprev = (b + 2) % 4

            idx_dma(g, b).wait()

            @pl.when(g >= 2)
            def _():
                out_dma(g - 2, b2).wait()
                _scatter_val(obufs[b2], ibufs[bprev], zeros)

            _scatter_val(obufs[b2], ibufs[b], ones)
            out_dma(g, b2).start()

            @pl.when(g + 2 < _CHUNKS_PER_W)
            def _():
                idx_dma(g + 2, bprev).start()
        return 0

    lax.fori_loop(0, _CHUNKS_PER_W // 4, outer, 0)

    out_dma(_CHUNKS_PER_W - 2, 0).wait()
    out_dma(_CHUNKS_PER_W - 1, 1).wait()


@functools.partial(jax.jit, static_argnums=())
def _run(idx):
    mesh = plsc.VectorSubcoreMesh(core_axis_name="c", subcore_axis_name="s")
    fn = pl.kernel(
        _one_hot_sc,
        out_type=jax.ShapeDtypeStruct((_K, _N), jnp.float32),
        mesh=mesh,
        compiler_params=pltpu.CompilerParams(needs_layout_passes=False, skip_device_barrier=True),
        scratch_types=[
            pltpu.VMEM((_K, _CH), jnp.float32),
            pltpu.VMEM((_K, _CH), jnp.float32),
            pltpu.VMEM((_CH,), jnp.int32),
            pltpu.VMEM((_CH,), jnp.int32),
            pltpu.VMEM((_CH,), jnp.int32),
            pltpu.VMEM((_CH,), jnp.int32),
            pltpu.SemaphoreType.DMA,
            pltpu.SemaphoreType.DMA,
            pltpu.SemaphoreType.DMA,
            pltpu.SemaphoreType.DMA,
            pltpu.SemaphoreType.DMA,
            pltpu.SemaphoreType.DMA,
        ],
    )
    return fn(idx)


def kernel(input):
    out_t = _run(input.astype(jnp.int32).reshape(-1))
    return out_t.T

# --- scband reference (transcript-rebuilt; emitter-appended) ---
"""Pipeline reference for scband-one-hot-layer-7327214206983 (READ-ONLY COPY).

The authoritative reference and input builder live on the scoring server;
editing this copy changes nothing except your own understanding.
"""

import jax, jax.numpy as jnp
import numpy as np

def setup_inputs(seed: int = 0) -> dict:
    key = jax.random.key(seed)
    indices = jax.random.randint(key, (16384, 100), 0, 25, dtype=jnp.int64)
    return {"input": indices}

def reference(input) -> jnp.ndarray:
    idx = input.astype(jnp.int32)
    hot = jax.nn.one_hot(idx, 25, dtype=jnp.float32)
    hot = hot.reshape(-1, 25)
    return hot.astype(jnp.float32)

if __name__ == "__main__":
    import jax
    _d = setup_inputs()
    print(jax.jit(kernel)(*tuple(_d.values())))

</pallas_src>

<mosaic_0001>
#map = affine_map<(d0, d1) -> (0)>
#map1 = affine_map<(d0, d1) -> (0, 0)>
module attributes {stable_mosaic.version = 14 : i64} {
  func.func @_one_hot_sc(%arg0: i32, %arg1: i32, %arg2: memref<1638400xi32, #tpu.memory_space<hbm>>, %arg3: memref<25x1638400xf32, #tpu.memory_space<hbm>>, %arg4: memref<25x1280xf32, #tpu.memory_space<vmem>>, %arg5: memref<25x1280xf32, #tpu.memory_space<vmem>>, %arg6: memref<1280xi32, #tpu.memory_space<vmem>>, %arg7: memref<1280xi32, #tpu.memory_space<vmem>>, %arg8: memref<1280xi32, #tpu.memory_space<vmem>>, %arg9: memref<1280xi32, #tpu.memory_space<vmem>>, %arg10: memref<!tpu.dma_semaphore, #tpu.memory_space<semaphore_mem>>, %arg11: memref<!tpu.dma_semaphore, #tpu.memory_space<semaphore_mem>>, %arg12: memref<!tpu.dma_semaphore, #tpu.memory_space<semaphore_mem>>, %arg13: memref<!tpu.dma_semaphore, #tpu.memory_space<semaphore_mem>>, %arg14: memref<!tpu.dma_semaphore, #tpu.memory_space<semaphore_mem>>, %arg15: memref<!tpu.dma_semaphore, #tpu.memory_space<semaphore_mem>>) attributes {dimension_semantics = [#tpu.dimension_semantics<core_parallel>, #tpu.dimension_semantics<subcore_parallel>], iteration_bounds = array<i64: 2, 16>, scalar_prefetch = 0 : i64, scratch_operands = 12 : i64, tpu.core_type = #tpu.core_type<sc_vector_subcore>, window_params = [{transform_indices = #map}, {transform_indices = #map1}]} {
    %mul3A = arith.constant 2 : i32
    %mul3A_0 = arith.muli %arg1, %mul3A : i32
    %add3A = arith.addi %mul3A_0, %arg0 : i32
    %mul3A_1 = arith.constant 51200 : i32
    %mul3A_2 = arith.muli %add3A, %mul3A_1 : i32
    %broadcast_in_dim3A = arith.constant 1.000000e+00 : f32
    %broadcast_in_dim3A_3 = vector.broadcast %broadcast_in_dim3A : f32 to vector<16xf32>
    %broadcast_in_dim3A_4 = arith.constant 0.000000e+00 : f32
    %broadcast_in_dim3A_5 = vector.broadcast %broadcast_in_dim3A_4 : f32 to vector<16xf32>
    %scan3A = arith.constant 0 : i32
    %scan3A_6 = arith.constant 0 : i32
    %scan3A_7 = arith.constant 80 : i32
    %scan3A_8 = arith.addi %scan3A_6, %scan3A_7 : i32
    %scan3A_9 = arith.constant 1 : i32
    %scan3A_10 = scf.for %scan3A_37 = %scan3A_6 to %scan3A_8 step %scan3A_9 iter_args(%scan3A_38 = %scan3A) -> (i32)  : i32 {
      %mul3A_39 = arith.constant 16 : i32
      %mul3A_40 = arith.muli %scan3A_37, %mul3A_39 : i32
      %swap3A = arith.constant 0 : i32
      %swap3A_41 = arith.index_cast %swap3A : i32 to index
      %swap3A_42 = arith.index_cast %mul3A_40 : i32 to index
      %swap3A_43 = tpu.vector_load %arg4[%swap3A_41, %swap3A_42] {strides = array<i32>} : memref<25x1280xf32, #tpu.memory_space<vmem>>, vector<16xf32>,
      tpu.vector_store %arg4[%swap3A_41, %swap3A_42], %broadcast_in_dim3A_5 {strides = array<i32>} : memref<25x1280xf32, #tpu.memory_space<vmem>>, vector<16xf32>,
      %mul3A_44 = arith.constant 16 : i32
      %mul3A_45 = arith.muli %scan3A_37, %mul3A_44 : i32
      %swap3A_46 = arith.constant 0 : i32
      %swap3A_47 = arith.index_cast %swap3A_46 : i32 to index
      %swap3A_48 = arith.index_cast %mul3A_45 : i32 to index
      %swap3A_49 = tpu.vector_load %arg5[%swap3A_47, %swap3A_48] {strides = array<i32>} : memref<25x1280xf32, #tpu.memory_space<vmem>>, vector<16xf32>,
      tpu.vector_store %arg5[%swap3A_47, %swap3A_48], %broadcast_in_dim3A_5 {strides = array<i32>} : memref<25x1280xf32, #tpu.memory_space<vmem>>, vector<16xf32>,
      %mul3A_50 = arith.constant 16 : i32
      %mul3A_51 = arith.muli %scan3A_37, %mul3A_50 : i32
      %swap3A_52 = arith.constant 1 : i32
      %swap3A_53 = arith.index_cast %swap3A_52 : i32 to index
      %swap3A_54 = arith.index_cast %mul3A_51 : i32 to index
      %swap3A_55 = tpu.vector_load %arg4[%swap3A_53, %swap3A_54] {strides = array<i32>} : memref<25x1280xf32, #tpu.memory_space<vmem>>, vector<16xf32>,
      tpu.vector_store %arg4[%swap3A_53, %swap3A_54], %broadcast_in_dim3A_5 {strides = array<i32>} : memref<25x1280xf32, #tpu.memory_space<vmem>>, vector<16xf32>,
      %mul3A_56 = arith.constant 16 : i32
      %mul3A_57 = arith.muli %scan3A_37, %mul3A_56 : i32
      %swap3A_58 = arith.constant 1 : i32
      %swap3A_59 = arith.index_cast %swap3A_58 : i32 to index
      %swap3A_60 = arith.index_cast %mul3A_57 : i32 to index
      %swap3A_61 = tpu.vector_load %arg5[%swap3A_59, %swap3A_60] {strides = array<i32>} : memref<25x1280xf32, #tpu.memory_space<vmem>>, vector<16xf32>,
      tpu.vector_store %arg5[%swap3A_59, %swap3A_60], %broadcast_in_dim3A_5 {strides = array<i32>} : memref<25x1280xf32, #tpu.memory_space<vmem>>, vector<16xf32>,
      %mul3A_62 = arith.constant 16 : i32
      %mul3A_63 = arith.muli %scan3A_37, %mul3A_62 : i32
      %swap3A_64 = arith.constant 2 : i32
      %swap3A_65 = arith.index_cast %swap3A_64 : i32 to index
      %swap3A_66 = arith.index_cast %mul3A_63 : i32 to index
      %swap3A_67 = tpu.vector_load %arg4[%swap3A_65, %swap3A_66] {strides = array<i32>} : memref<25x1280xf32, #tpu.memory_space<vmem>>, vector<16xf32>,
      tpu.vector_store %arg4[%swap3A_65, %swap3A_66], %broadcast_in_dim3A_5 {strides = array<i32>} : memref<25x1280xf32, #tpu.memory_space<vmem>>, vector<16xf32>,
      %mul3A_68 = arith.constant 16 : i32
      %mul3A_69 = arith.muli %scan3A_37, %mul3A_68 : i32
      %swap3A_70 = arith.constant 2 : i32
      %swap3A_71 = arith.index_cast %swap3A_70 : i32 to index
      %swap3A_72 = arith.index_cast %mul3A_69 : i32 to index
      %swap3A_73 = tpu.vector_load %arg5[%swap3A_71, %swap3A_72] {strides = array<i32>} : memref<25x1280xf32, #tpu.memory_space<vmem>>, vector<16xf32>,
      tpu.vector_store %arg5[%swap3A_71, %swap3A_72], %broadcast_in_dim3A_5 {strides = array<i32>} : memref<25x1280xf32, #tpu.memory_space<vmem>>, vector<16xf32>,
      %mul3A_74 = arith.constant 16 : i32
      %mul3A_75 = arith.muli %scan3A_37, %mul3A_74 : i32
      %swap3A_76 = arith.constant 3 : i32
      %swap3A_77 = arith.index_cast %swap3A_76 : i32 to index
      %swap3A_78 = arith.index_cast %mul3A_75 : i32 to index
      %swap3A_79 = tpu.vector_load %arg4[%swap3A_77, %swap3A_78] {strides = array<i32>} : memref<25x1280xf32, #tpu.memory_space<vmem>>, vector<16xf32>,
      tpu.vector_store %arg4[%swap3A_77, %swap3A_78], %broadcast_in_dim3A_5 {strides = array<i32>} : memref<25x1280xf32, #tpu.memory_space<vmem>>, vector<16xf32>,
      %mul3A_80 = arith.constant 16 : i32
      %mul3A_81 = arith.muli %scan3A_37, %mul3A_80 : i32
      %swap3A_82 = arith.constant 3 : i32
      %swap3A_83 = arith.index_cast %swap3A_82 : i32 to index
      %swap3A_84 = arith.index_cast %mul3A_81 : i32 to index
      %swap3A_85 = tpu.vector_load %arg5[%swap3A_83, %swap3A_84] {strides = array<i32>} : memref<25x1280xf32, #tpu.memory_space<vmem>>, vector<16xf32>,
      tpu.vector_store %arg5[%swap3A_83, %swap3A_84], %broadcast_in_dim3A_5 {strides = array<i32>} : memref<25x1280xf32, #tpu.memory_space<vmem>>, vector<16xf32>,
      %mul3A_86 = arith.constant 16 : i32
      %mul3A_87 = arith.muli %scan3A_37, %mul3A_86 : i32
      %swap3A_88 = arith.constant 4 : i32
      %swap3A_89 = arith.index_cast %swap3A_88 : i32 to index
      %swap3A_90 = arith.index_cast %mul3A_87 : i32 to index
      %swap3A_91 = tpu.vector_load %arg4[%swap3A_89, %swap3A_90] {strides = array<i32>} : memref<25x1280xf32, #tpu.memory_space<vmem>>, vector<16xf32>,
      tpu.vector_store %arg4[%swap3A_89, %swap3A_90], %broadcast_in_dim3A_5 {strides = array<i32>} : memref<25x1280xf32, #tpu.memory_space<vmem>>, vector<16xf32>,
      %mul3A_92 = arith.constant 16 : i32
      %mul3A_93 = arith.muli %scan3A_37, %mul3A_92 : i32
      %swap3A_94 = arith.constant 4 : i32
      %swap3A_95 = arith.index_cast %swap3A_94 : i32 to index
      %swap3A_96 = arith.index_cast %mul3A_93 : i32 to index
      %swap3A_97 = tpu.vector_load %arg5[%swap3A_95, %swap3A_96] {strides = array<i32>} : memref<25x1280xf32, #tpu.memory_space<vmem>>, vector<16xf32>,
      tpu.vector_store %arg5[%swap3A_95, %swap3A_96], %broadcast_in_dim3A_5 {strides = array<i32>} : memref<25x1280xf32, #tpu.memory_space<vmem>>, vector<16xf32>,
      %mul3A_98 = arith.constant 16 : i32
      %mul3A_99 = arith.muli %scan3A_37, %mul3A_98 : i32
      %swap3A_100 = arith.constant 5 : i32
      %swap3A_101 = arith.index_cast %swap3A_100 : i32 to index
      %swap3A_102 = arith.index_cast %mul3A_99 : i32 to index
      %swap3A_103 = tpu.vector_load %arg4[%swap3A_101, %swap3A_102] {strides = array<i32>} : memref<25x1280xf32, #tpu.memory_space<vmem>>, vector<16xf32>,
      tpu.vector_store %arg4[%swap3A_101, %swap3A_102], %broadcast_in_dim3A_5 {strides = array<i32>} : memref<25x1280xf32, #tpu.memory_space<vmem>>, vector<16xf32>,
      %mul3A_104 = arith.constant 16 : i32
      %mul3A_105 = arith.muli %scan3A_37, %mul3A_104 : i32
      %swap3A_106 = arith.constant 5 : i32
      %swap3A_107 = arith.index_cast %swap3A_106 : i32 to index
      %swap3A_108 = arith.index_cast %mul3A_105 : i32 to index
      %swap3A_109 = tpu.vector_load %arg5[%swap3A_107, %swap3A_108] {strides = array<i32>} : memref<25x1280xf32, #tpu.memory_space<vmem>>, vector<16xf32>,
      tpu.vector_store %arg5[%swap3A_107, %swap3A_108], %broadcast_in_dim3A_5 {strides = array<i32>} : memref<25x1280xf32, #tpu.memory_space<vmem>>, vector<16xf32>,
      %mul3A_110 = arith.constant 16 : i32
      %mul3A_111 = arith.muli %scan3A_37, %mul3A_110 : i32
      %swap3A_112 = arith.constant 6 : i32
      %swap3A_113 = arith.index_cast %swap3A_112 : i32 to index
      %swap3A_114 = arith.index_cast %mul3A_111 : i32 to index
      %swap3A_115 = tpu.vector_load %arg4[%swap3A_113, %swap3A_114] {strides = array<i32>} : memref<25x1280xf32, #tpu.memory_space<vmem>>, vector<16xf32>,
      tpu.vector_store %arg4[%swap3A_113, %swap3A_114], %broadcast_in_dim3A_5 {strides = array<i32>} : memref<25x1280xf32, #tpu.memory_space<vmem>>, vector<16xf32>,
      %mul3A_116 = arith.constant 16 : i32
      %mul3A_117 = arith.muli %scan3A_37, %mul3A_116 : i32
      %swap3A_118 = arith.constant 6 : i32
      %swap3A_119 = arith.index_cast %swap3A_118 : i32 to index
      %swap3A_120 = arith.index_cast %mul3A_117 : i32 to index
      %swap3A_121 = tpu.vector_load %arg5[%swap3A_119, %swap3A_120] {strides = array<i32>} : memref<25x1280xf32, #tpu.memory_space<vmem>>, vector<16xf32>,
      tpu.vector_store %arg5[%swap3A_119, %swap3A_120], %broadcast_in_dim3A_5 {strides = array<i32>} : memref<25x1280xf32, #tpu.memory_space<vmem>>, vector<16xf32>,
      %mul3A_122 = arith.constant 16 : i32
      %mul3A_123 = arith.muli %scan3A_37, %mul3A_122 : i32
      %swap3A_124 = arith.constant 7 : i32
      %swap3A_125 = arith.index_cast %swap3A_124 : i32 to index
      %swap3A_126 = arith.index_cast %mul3A_123 : i32 to index
      %swap3A_127 = tpu.vector_load %arg4[%swap3A_125, %swap3A_126] {strides = array<i32>} : memref<25x1280xf32, #tpu.memory_space<vmem>>, vector<16xf32>,
      tpu.vector_store %arg4[%swap3A_125, %swap3A_126], %broadcast_in_dim3A_5 {strides = array<i32>} : memref<25x1280xf32, #tpu.memory_space<vmem>>, vector<16xf32>,
      %mul3A_128 = arith.constant 16 : i32
      %mul3A_129 = arith.muli %scan3A_37, %mul3A_128 : i32
      %swap3A_130 = arith.constant 7 : i32
      %swap3A_131 = arith.index_cast %swap3A_130 : i32 to index
      %swap3A_132 = arith.index_cast %mul3A_129 : i32 to index
      %swap3A_133 = tpu.vector_load %arg5[%swap3A_131, %swap3A_132] {strides = array<i32>} : memref<25x1280xf32, #tpu.memory_space<vmem>>, vector<16xf32>,
      tpu.vector_store %arg5[%swap3A_131, %swap3A_132], %broadcast_in_dim3A_5 {strides = array<i32>} : memref<25x1280xf32, #tpu.memory_space<vmem>>, vector<16xf32>,
      %mul3A_134 = arith.constant 16 : i32
      %mul3A_135 = arith.muli %scan3A_37, %mul3A_134 : i32
      %swap3A_136 = arith.constant 8 : i32
      %swap3A_137 = arith.index_cast %swap3A_136 : i32 to index
      %swap3A_138 = arith.index_cast %mul3A_135 : i32 to index
      %swap3A_139 = tpu.vector_load %arg4[%swap3A_137, %swap3A_138] {strides = array<i32>} : memref<25x1280xf32, #tpu.memory_space<vmem>>, vector<16xf32>,
      tpu.vector_store %arg4[%swap3A_137, %swap3A_138], %broadcast_in_dim3A_5 {strides = array<i32>} : memref<25x1280xf32, #tpu.memory_space<vmem>>, vector<16xf32>,
      %mul3A_140 = arith.constant 16 : i32
      %mul3A_141 = arith.muli %scan3A_37, %mul3A_140 : i32
      %swap3A_142 = arith.constant 8 : i32
      %swap3A_143 = arith.index_cast %swap3A_142 : i32 to index
      %swap3A_144 = arith.index_cast %mul3A_141 : i32 to index
      %swap3A_145 = tpu.vector_load %arg5[%swap3A_143, %swap3A_144] {strides = array<i32>} : memref<25x1280xf32, #tpu.memory_space<vmem>>, vector<16xf32>,
      tpu.vector_store %arg5[%swap3A_143, %swap3A_144], %broadcast_in_dim3A_5 {strides = array<i32>} : memref<25x1280xf32, #tpu.memory_space<vmem>>, vector<16xf32>,
      %mul3A_146 = arith.constant 16 : i32
      %mul3A_147 = arith.muli %scan3A_37, %mul3A_146 : i32
      %swap3A_148 = arith.constant 9 : i32
      %swap3A_149 = arith.index_cast %swap3A_148 : i32 to index
      %swap3A_150 = arith.index_cast %mul3A_147 : i32 to index
      %swap3A_151 = tpu.vector_load %arg4[%swap3A_149, %swap3A_150] {strides = array<i32>} : memref<25x1280xf32, #tpu.memory_space<vmem>>, vector<16xf32>,
      tpu.vector_store %arg4[%swap3A_149, %swap3A_150], %broadcast_in_dim3A_5 {strides = array<i32>} : memref<25x1280xf32, #tpu.memory_space<vmem>>, vector<16xf32>,
      %mul3A_152 = arith.constant 16 : i32
      %mul3A_153 = arith.muli %scan3A_37, %mul3A_152 : i32
      %swap3A_154 = arith.constant 9 : i32
      %swap3A_155 = arith.index_cast %swap3A_154 : i32 to index
      %swap3A_156 = arith.index_cast %mul3A_153 : i32 to index
      %swap3A_157 = tpu.vector_load %arg5[%swap3A_155, %swap3A_156] {strides = array<i32>} : memref<25x1280xf32, #tpu.memory_space<vmem>>, vector<16xf32>,
      tpu.vector_store %arg5[%swap3A_155, %swap3A_156], %broadcast_in_dim3A_5 {strides = array<i32>} : memref<25x1280xf32, #tpu.memory_space<vmem>>, vector<16xf32>,
      %mul3A_158 = arith.constant 16 : i32
      %mul3A_159 = arith.muli %scan3A_37, %mul3A_158 : i32
      %swap3A_160 = arith.constant 10 : i32
      %swap3A_161 = arith.index_cast %swap3A_160 : i32 to index
      %swap3A_162 = arith.index_cast %mul3A_159 : i32 to index
      %swap3A_163 = tpu.vector_load %arg4[%swap3A_161, %swap3A_162] {strides = array<i32>} : memref<25x1280xf32, #tpu.memory_space<vmem>>, vector<16xf32>,
      tpu.vector_store %arg4[%swap3A_161, %swap3A_162], %broadcast_in_dim3A_5 {strides = array<i32>} : memref<25x1280xf32, #tpu.memory_space<vmem>>, vector<16xf32>,
      %mul3A_164 = arith.constant 16 : i32
      %mul3A_165 = arith.muli %scan3A_37, %mul3A_164 : i32
      %swap3A_166 = arith.constant 10 : i32
      %swap3A_167 = arith.index_cast %swap3A_166 : i32 to index
      %swap3A_168 = arith.index_cast %mul3A_165 : i32 to index
      %swap3A_169 = tpu.vector_load %arg5[%swap3A_167, %swap3A_168] {strides = array<i32>} : memref<25x1280xf32, #tpu.memory_space<vmem>>, vector<16xf32>,
      tpu.vector_store %arg5[%swap3A_167, %swap3A_168], %broadcast_in_dim3A_5 {strides = array<i32>} : memref<25x1280xf32, #tpu.memory_space<vmem>>, vector<16xf32>,
      %mul3A_170 = arith.constant 16 : i32
      %mul3A_171 = arith.muli %scan3A_37, %mul3A_170 : i32
      %swap3A_172 = arith.constant 11 : i32
      %swap3A_173 = arith.index_cast %swap3A_172 : i32 to index
      %swap3A_174 = arith.index_cast %mul3A_171 : i32 to index
      %swap3A_175 = tpu.vector_load %arg4[%swap3A_173, %swap3A_174] {strides = array<i32>} : memref<25x1280xf32, #tpu.memory_space<vmem>>, vector<16xf32>,
      tpu.vector_store %arg4[%swap3A_173, %swap3A_174], %broadcast_in_dim3A_5 {strides = array<i32>} : memref<25x1280xf32, #tpu.memory_space<vmem>>, vector<16xf32>,
      %mul3A_176 = arith.constant 16 : i32
      %mul3A_177 = arith.muli %scan3A_37, %mul3A_176 : i32
      %swap3A_178 = arith.constant 11 : i32
      %swap3A_179 = arith.index_cast %swap3A_178 : i32 to index
      %swap3A_180 = arith.index_cast %mul3A_177 : i32 to index
      %swap3A_181 = tpu.vector_load %arg5[%swap3A_179, %swap3A_180] {strides = array<i32>} : memref<25x1280xf32, #tpu.memory_space<vmem>>, vector<16xf32>,
      tpu.vector_store %arg5[%swap3A_179, %swap3A_180], %broadcast_in_dim3A_5 {strides = array<i32>} : memref<25x1280xf32, #tpu.memory_space<vmem>>, vector<16xf32>,
      %mul3A_182 = arith.constant 16 : i32
      %mul3A_183 = arith.muli %scan3A_37, %mul3A_182 : i32
      %swap3A_184 = arith.constant 12 : i32
      %swap3A_185 = arith.index_cast %swap3A_184 : i32 to index
      %swap3A_186 = arith.index_cast %mul3A_183 : i32 to index
      %swap3A_187 = tpu.vector_load %arg4[%swap3A_185, %swap3A_186] {strides = array<i32>} : memref<25x1280xf32, #tpu.memory_space<vmem>>, vector<16xf32>,
      tpu.vector_store %arg4[%swap3A_185, %swap3A_186], %broadcast_in_dim3A_5 {strides = array<i32>} : memref<25x1280xf32, #tpu.memory_space<vmem>>, vector<16xf32>,
      %mul3A_188 = arith.constant 16 : i32
      %mul3A_189 = arith.muli %scan3A_37, %mul3A_188 : i32
      %swap3A_190 = arith.constant 12 : i32
      %swap3A_191 = arith.index_cast %swap3A_190 : i32 to index
      %swap3A_192 = arith.index_cast %mul3A_189 : i32 to index
      %swap3A_193 = tpu.vector_load %arg5[%swap3A_191, %swap3A_192] {strides = array<i32>} : memref<25x1280xf32, #tpu.memory_space<vmem>>, vector<16xf32>,
      tpu.vector_store %arg5[%swap3A_191, %swap3A_192], %broadcast_in_dim3A_5 {strides = array<i32>} : memref<25x1280xf32, #tpu.memory_space<vmem>>, vector<16xf32>,
      %mul3A_194 = arith.constant 16 : i32
      %mul3A_195 = arith.muli %scan3A_37, %mul3A_194 : i32
      %swap3A_196 = arith.constant 13 : i32
      %swap3A_197 = arith.index_cast %swap3A_196 : i32 to index
      %swap3A_198 = arith.index_cast %mul3A_195 : i32 to index
      %swap3A_199 = tpu.vector_load %arg4[%swap3A_197, %swap3A_198] {strides = array<i32>} : memref<25x1280xf32, #tpu.memory_space<vmem>>, vector<16xf32>,
      tpu.vector_store %arg4[%swap3A_197, %swap3A_198], %broadcast_in_dim3A_5 {strides = array<i32>} : memref<25x1280xf32, #tpu.memory_space<vmem>>, vector<16xf32>,
      %mul3A_200 = arith.constant 16 : i32
      %mul3A_201 = arith.muli %scan3A_37, %mul3A_200 : i32
      %swap3A_202 = arith.constant 13 : i32
      %swap3A_203 = arith.index_cast %swap3A_202 : i32 to index
      %swap3A_204 = arith.index_cast %mul3A_201 : i32 to index
      %swap3A_205 = tpu.vector_load %arg5[%swap3A_203, %swap3A_204] {strides = array<i32>} : memref<25x1280xf32, #tpu.memory_space<vmem>>, vector<16xf32>,
      tpu.vector_store %arg5[%swap3A_203, %swap3A_204], %broadcast_in_dim3A_5 {strides = array<i32>} : memref<25x1280xf32, #tpu.memory_space<vmem>>, vector<16xf32>,
      %mul3A_206 = arith.constant 16 : i32
      %mul3A_207 = arith.muli %scan3A_37, %mul3A_206 : i32
      %swap3A_208 = arith.constant 14 : i32
      %swap3A_209 = arith.index_cast %swap3A_208 : i32 to index
      %swap3A_210 = arith.index_cast %mul3A_207 : i32 to index
      %swap3A_211 = tpu.vector_load %arg4[%swap3A_209, %swap3A_210] {strides = array<i32>} : memref<25x1280xf32, #tpu.memory_space<vmem>>, vector<16xf32>,
      tpu.vector_store %arg4[%swap3A_209, %swap3A_210], %broadcast_in_dim3A_5 {strides = array<i32>} : memref<25x1280xf32, #tpu.memory_space<vmem>>, vector<16xf32>,
      %mul3A_212 = arith.constant 16 : i32
      %mul3A_213 = arith.muli %scan3A_37, %mul3A_212 : i32
      %swap3A_214 = arith.constant 14 : i32
      %swap3A_215 = arith.index_cast %swap3A_214 : i32 to index
      %swap3A_216 = arith.index_cast %mul3A_213 : i32 to index
      %swap3A_217 = tpu.vector_load %arg5[%swap3A_215, %swap3A_216] {strides = array<i32>} : memref<25x1280xf32, #tpu.memory_space<vmem>>, vector<16xf32>,
      tpu.vector_store %arg5[%swap3A_215, %swap3A_216], %broadcast_in_dim3A_5 {strides = array<i32>} : memref<25x1280xf32, #tpu.memory_space<vmem>>, vector<16xf32>,
      %mul3A_218 = arith.constant 16 : i32
      %mul3A_219 = arith.muli %scan3A_37, %mul3A_218 : i32
      %swap3A_220 = arith.constant 15 : i32
      %swap3A_221 = arith.index_cast %swap3A_220 : i32 to index
      %swap3A_222 = arith.index_cast %mul3A_219 : i32 to index
      %swap3A_223 = tpu.vector_load %arg4[%swap3A_221, %swap3A_222] {strides = array<i32>} : memref<25x1280xf32, #tpu.memory_space<vmem>>, vector<16xf32>,
      tpu.vector_store %arg4[%swap3A_221, %swap3A_222], %broadcast_in_dim3A_5 {strides = array<i32>} : memref<25x1280xf32, #tpu.memory_space<vmem>>, vector<16xf32>,
      %mul3A_224 = arith.constant 16 : i32
      %mul3A_225 = arith.muli %scan3A_37, %mul3A_224 : i32
      %swap3A_226 = arith.constant 15 : i32
      %swap3A_227 = arith.index_cast %swap3A_226 : i32 to index
      %swap3A_228 = arith.index_cast %mul3A_225 : i32 to index
      %swap3A_229 = tpu.vector_load %arg5[%swap3A_227, %swap3A_228] {strides = array<i32>} : memref<25x1280xf32, #tpu.memory_space<vmem>>, vector<16xf32>,
      tpu.vector_store %arg5[%swap3A_227, %swap3A_228], %broadcast_in_dim3A_5 {strides = array<i32>} : memref<25x1280xf32, #tpu.memory_space<vmem>>, vector<16xf32>,
      %mul3A_230 = arith.constant 16 : i32
      %mul3A_231 = arith.muli %scan3A_37, %mul3A_230 : i32
      %swap3A_232 = arith.constant 16 : i32
      %swap3A_233 = arith.index_cast %swap3A_232 : i32 to index
      %swap3A_234 = arith.index_cast %mul3A_231 : i32 to index
      %swap3A_235 = tpu.vector_load %arg4[%swap3A_233, %swap3A_234] {strides = array<i32>} : memref<25x1280xf32, #tpu.memory_space<vmem>>, vector<16xf32>,
      tpu.vector_store %arg4[%swap3A_233, %swap3A_234], %broadcast_in_dim3A_5 {strides = array<i32>} : memref<25x1280xf32, #tpu.memory_space<vmem>>, vector<16xf32>,
      %mul3A_236 = arith.constant 16 : i32
      %mul3A_237 = arith.muli %scan3A_37, %mul3A_236 : i32
      %swap3A_238 = arith.constant 16 : i32
      %swap3A_239 = arith.index_cast %swap3A_238 : i32 to index
      %swap3A_240 = arith.index_cast %mul3A_237 : i32 to index
      %swap3A_241 = tpu.vector_load %arg5[%swap3A_239, %swap3A_240] {strides = array<i32>} : memref<25x1280xf32, #tpu.memory_space<vmem>>, vector<16xf32>,
      tpu.vector_store %arg5[%swap3A_239, %swap3A_240], %broadcast_in_dim3A_5 {strides = array<i32>} : memref<25x1280xf32, #tpu.memory_space<vmem>>, vector<16xf32>,
      %mul3A_242 = arith.constant 16 : i32
      %mul3A_243 = arith.muli %scan3A_37, %mul3A_242 : i32
      %swap3A_244 = arith.constant 17 : i32
      %swap3A_245 = arith.index_cast %swap3A_244 : i32 to index
      %swap3A_246 = arith.index_cast %mul3A_243 : i32 to index
      %swap3A_247 = tpu.vector_load %arg4[%swap3A_245, %swap3A_246] {strides = array<i32>} : memref<25x1280xf32, #tpu.memory_space<vmem>>, vector<16xf32>,
      tpu.vector_store %arg4[%swap3A_245, %swap3A_246], %broadcast_in_dim3A_5 {strides = array<i32>} : memref<25x1280xf32, #tpu.memory_space<vmem>>, vector<16xf32>,
      %mul3A_248 = arith.constant 16 : i32
      %mul3A_249 = arith.muli %scan3A_37, %mul3A_248 : i32
      %swap3A_250 = arith.constant 17 : i32
      %swap3A_251 = arith.index_cast %swap3A_250 : i32 to index
      %swap3A_252 = arith.index_cast %mul3A_249 : i32 to index
      %swap3A_253 = tpu.vector_load %arg5[%swap3A_251, %swap3A_252] {strides = array<i32>} : memref<25x1280xf32, #tpu.memory_space<vmem>>, vector<16xf32>,
      tpu.vector_store %arg5[%swap3A_251, %swap3A_252], %broadcast_in_dim3A_5 {strides = array<i32>} : memref<25x1280xf32, #tpu.memory_space<vmem>>, vector<16xf32>,
      %mul3A_254 = arith.constant 16 : i32
      %mul3A_255 = arith.muli %scan3A_37, %mul3A_254 : i32
      %swap3A_256 = arith.constant 18 : i32
      %swap3A_257 = arith.index_cast %swap3A_256 : i32 to index
      %swap3A_258 = arith.index_cast %mul3A_255 : i32 to index
      %swap3A_259 = tpu.vector_load %arg4[%swap3A_257, %swap3A_258] {strides = array<i32>} : memref<25x1280xf32, #tpu.memory_space<vmem>>, vector<16xf32>,
      tpu.vector_store %arg4[%swap3A_257, %swap3A_258], %broadcast_in_dim3A_5 {strides = array<i32>} : memref<25x1280xf32, #tpu.memory_space<vmem>>, vector<16xf32>,
      %mul3A_260 = arith.constant 16 : i32
      %mul3A_261 = arith.muli %scan3A_37, %mul3A_260 : i32
      %swap3A_262 = arith.constant 18 : i32
      %swap3A_263 = arith.index_cast %swap3A_262 : i32 to index
      %swap3A_264 = arith.index_cast %mul3A_261 : i32 to index
      %swap3A_265 = tpu.vector_load %arg5[%swap3A_263, %swap3A_264] {strides = array<i32>} : memref<25x1280xf32, #tpu.memory_space<vmem>>, vector<16xf32>,
      tpu.vector_store %arg5[%swap3A_263, %swap3A_264], %broadcast_in_dim3A_5 {strides = array<i32>} : memref<25x1280xf32, #tpu.memory_space<vmem>>, vector<16xf32>,
      %mul3A_266 = arith.constant 16 : i32
      %mul3A_267 = arith.muli %scan3A_37, %mul3A_266 : i32
      %swap3A_268 = arith.constant 19 : i32
      %swap3A_269 = arith.index_cast %swap3A_268 : i32 to index
      %swap3A_270 = arith.index_cast %mul3A_267 : i32 to index
      %swap3A_271 = tpu.vector_load %arg4[%swap3A_269, %swap3A_270] {strides = array<i32>} : memref<25x1280xf32, #tpu.memory_space<vmem>>, vector<16xf32>,
      tpu.vector_store %arg4[%swap3A_269, %swap3A_270], %broadcast_in_dim3A_5 {strides = array<i32>} : memref<25x1280xf32, #tpu.memory_space<vmem>>, vector<16xf32>,
      %mul3A_272 = arith.constant 16 : i32
      %mul3A_273 = arith.muli %scan3A_37, %mul3A_272 : i32
      %swap3A_274 = arith.constant 19 : i32
      %swap3A_275 = arith.index_cast %swap3A_274 : i32 to index
      %swap3A_276 = arith.index_cast %mul3A_273 : i32 to index
      %swap3A_277 = tpu.vector_load %arg5[%swap3A_275, %swap3A_276] {strides = array<i32>} : memref<25x1280xf32, #tpu.memory_space<vmem>>, vector<16xf32>,
      tpu.vector_store %arg5[%swap3A_275, %swap3A_276], %broadcast_in_dim3A_5 {strides = array<i32>} : memref<25x1280xf32, #tpu.memory_space<vmem>>, vector<16xf32>,
      %mul3A_278 = arith.constant 16 : i32
      %mul3A_279 = arith.muli %scan3A_37, %mul3A_278 : i32
      %swap3A_280 = arith.constant 20 : i32
      %swap3A_281 = arith.index_cast %swap3A_280 : i32 to index
      %swap3A_282 = arith.index_cast %mul3A_279 : i32 to index
      %swap3A_283 = tpu.vector_load %arg4[%swap3A_281, %swap3A_282] {strides = array<i32>} : memref<25x1280xf32, #tpu.memory_space<vmem>>, vector<16xf32>,
      tpu.vector_store %arg4[%swap3A_281, %swap3A_282], %broadcast_in_dim3A_5 {strides = array<i32>} : memref<25x1280xf32, #tpu.memory_space<vmem>>, vector<16xf32>,
      %mul3A_284 = arith.constant 16 : i32
      %mul3A_285 = arith.muli %scan3A_37, %mul3A_284 : i32
      %swap3A_286 = arith.constant 20 : i32
      %swap3A_287 = arith.index_cast %swap3A_286 : i32 to index
      %swap3A_288 = arith.index_cast %mul3A_285 : i32 to index
      %swap3A_289 = tpu.vector_load %arg5[%swap3A_287, %swap3A_288] {strides = array<i32>} : memref<25x1280xf32, #tpu.memory_space<vmem>>, vector<16xf32>,
      tpu.vector_store %arg5[%swap3A_287, %swap3A_288], %broadcast_in_dim3A_5 {strides = array<i32>} : memref<25x1280xf32, #tpu.memory_space<vmem>>, vector<16xf32>,
      %mul3A_290 = arith.constant 16 : i32
      %mul3A_291 = arith.muli %scan3A_37, %mul3A_290 : i32
      %swap3A_292 = arith.constant 21 : i32
      %swap3A_293 = arith.index_cast %swap3A_292 : i32 to index
      %swap3A_294 = arith.index_cast %mul3A_291 : i32 to index
      %swap3A_295 = tpu.vector_load %arg4[%swap3A_293, %swap3A_294] {strides = array<i32>} : memref<25x1280xf32, #tpu.memory_space<vmem>>, vector<16xf32>,
      tpu.vector_store %arg4[%swap3A_293, %swap3A_294], %broadcast_in_dim3A_5 {strides = array<i32>} : memref<25x1280xf32, #tpu.memory_space<vmem>>, vector<16xf32>,
      %mul3A_296 = arith.constant 16 : i32
      %mul3A_297 = arith.muli %scan3A_37, %mul3A_296 : i32
      %swap3A_298 = arith.constant 21 : i32
      %swap3A_299 = arith.index_cast %swap3A_298 : i32 to index
      %swap3A_300 = arith.index_cast %mul3A_297 : i32 to index
      %swap3A_301 = tpu.vector_load %arg5[%swap3A_299, %swap3A_300] {strides = array<i32>} : memref<25x1280xf32, #tpu.memory_space<vmem>>, vector<16xf32>,
      tpu.vector_store %arg5[%swap3A_299, %swap3A_300], %broadcast_in_dim3A_5 {strides = array<i32>} : memref<25x1280xf32, #tpu.memory_space<vmem>>, vector<16xf32>,
      %mul3A_302 = arith.constant 16 : i32
      %mul3A_303 = arith.muli %scan3A_37, %mul3A_302 : i32
      %swap3A_304 = arith.constant 22 : i32
      %swap3A_305 = arith.index_cast %swap3A_304 : i32 to index
      %swap3A_306 = arith.index_cast %mul3A_303 : i32 to index
      %swap3A_307 = tpu.vector_load %arg4[%swap3A_305, %swap3A_306] {strides = array<i32>} : memref<25x1280xf32, #tpu.memory_space<vmem>>, vector<16xf32>,
      tpu.vector_store %arg4[%swap3A_305, %swap3A_306], %broadcast_in_dim3A_5 {strides = array<i32>} : memref<25x1280xf32, #tpu.memory_space<vmem>>, vector<16xf32>,
      %mul3A_308 = arith.constant 16 : i32
      %mul3A_309 = arith.muli %scan3A_37, %mul3A_308 : i32
      %swap3A_310 = arith.constant 22 : i32
      %swap3A_311 = arith.index_cast %swap3A_310 : i32 to index
      %swap3A_312 = arith.index_cast %mul3A_309 : i32 to index
      %swap3A_313 = tpu.vector_load %arg5[%swap3A_311, %swap3A_312] {strides = array<i32>} : memref<25x1280xf32, #tpu.memory_space<vmem>>, vector<16xf32>,
      tpu.vector_store %arg5[%swap3A_311, %swap3A_312], %broadcast_in_dim3A_5 {strides = array<i32>} : memref<25x1280xf32, #tpu.memory_space<vmem>>, vector<16xf32>,
      %mul3A_314 = arith.constant 16 : i32
      %mul3A_315 = arith.muli %scan3A_37, %mul3A_314 : i32
      %swap3A_316 = arith.constant 23 : i32
      %swap3A_317 = arith.index_cast %swap3A_316 : i32 to index
      %swap3A_318 = arith.index_cast %mul3A_315 : i32 to index
      %swap3A_319 = tpu.vector_load %arg4[%swap3A_317, %swap3A_318] {strides = array<i32>} : memref<25x1280xf32, #tpu.memory_space<vmem>>, vector<16xf32>,
      tpu.vector_store %arg4[%swap3A_317, %swap3A_318], %broadcast_in_dim3A_5 {strides = array<i32>} : memref<25x1280xf32, #tpu.memory_space<vmem>>, vector<16xf32>,
      %mul3A_320 = arith.constant 16 : i32
      %mul3A_321 = arith.muli %scan3A_37, %mul3A_320 : i32
      %swap3A_322 = arith.constant 23 : i32
      %swap3A_323 = arith.index_cast %swap3A_322 : i32 to index
      %swap3A_324 = arith.index_cast %mul3A_321 : i32 to index
      %swap3A_325 = tpu.vector_load %arg5[%swap3A_323, %swap3A_324] {strides = array<i32>} : memref<25x1280xf32, #tpu.memory_space<vmem>>, vector<16xf32>,
      tpu.vector_store %arg5[%swap3A_323, %swap3A_324], %broadcast_in_dim3A_5 {strides = array<i32>} : memref<25x1280xf32, #tpu.memory_space<vmem>>, vector<16xf32>,
      %mul3A_326 = arith.constant 16 : i32
      %mul3A_327 = arith.muli %scan3A_37, %mul3A_326 : i32
      %swap3A_328 = arith.constant 24 : i32
      %swap3A_329 = arith.index_cast %swap3A_328 : i32 to index
      %swap3A_330 = arith.index_cast %mul3A_327 : i32 to index
      %swap3A_331 = tpu.vector_load %arg4[%swap3A_329, %swap3A_330] {strides = array<i32>} : memref<25x1280xf32, #tpu.memory_space<vmem>>, vector<16xf32>,
      tpu.vector_store %arg4[%swap3A_329, %swap3A_330], %broadcast_in_dim3A_5 {strides = array<i32>} : memref<25x1280xf32, #tpu.memory_space<vmem>>, vector<16xf32>,
      %mul3A_332 = arith.constant 16 : i32
      %mul3A_333 = arith.muli %scan3A_37, %mul3A_332 : i32
      %swap3A_334 = arith.constant 24 : i32
      %swap3A_335 = arith.index_cast %swap3A_334 : i32 to index
      %swap3A_336 = arith.index_cast %mul3A_333 : i32 to index
      %swap3A_337 = tpu.vector_load %arg5[%swap3A_335, %swap3A_336] {strides = array<i32>} : memref<25x1280xf32, #tpu.memory_space<vmem>>, vector<16xf32>,
      tpu.vector_store %arg5[%swap3A_335, %swap3A_336], %broadcast_in_dim3A_5 {strides = array<i32>} : memref<25x1280xf32, #tpu.memory_space<vmem>>, vector<16xf32>,
      %scan3A_338 = arith.constant 0 : i32
      scf.yield %scan3A_338 : i32
    }
    %scan3A_11 = arith.constant 80 : i32
    %add3A_12 = arith.constant 0 : i32
    %add3A_13 = arith.addi %mul3A_2, %add3A_12 : i32
    %dma_start3A = tpu.memref_slice %arg2[%add3A_13] : memref<1638400xi32, #tpu.memory_space<hbm>> -> memref<1280xi32, #tpu.memory_space<hbm>>
    %dma_start3A_14 = tpu.memref_slice %arg2[%add3A_13] : memref<1638400xi32, #tpu.memory_space<hbm>> -> memref<1280xi32, #tpu.memory_space<hbm>>
    tpu.enqueue_dma source(%dma_start3A_14 : memref<1280xi32, #tpu.memory_space<hbm>>) target(%arg6 : memref<1280xi32, #tpu.memory_space<vmem>>) target_semaphore(%arg12 : memref<!tpu.dma_semaphore, #tpu.memory_space<semaphore_mem>>)
    %add3A_15 = arith.constant 1280 : i32
    %add3A_16 = arith.addi %mul3A_2, %add3A_15 : i32
    %dma_start3A_17 = tpu.memref_slice %arg2[%add3A_16] : memref<1638400xi32, #tpu.memory_space<hbm>> -> memref<1280xi32, #tpu.memory_space<hbm>>
    %dma_start3A_18 = tpu.memref_slice %arg2[%add3A_16] : memref<1638400xi32, #tpu.memory_space<hbm>> -> memref<1280xi32, #tpu.memory_space<hbm>>
    tpu.enqueue_dma source(%dma_start3A_18 : memref<1280xi32, #tpu.memory_space<hbm>>) target(%arg7 : memref<1280xi32, #tpu.memory_space<vmem>>) target_semaphore(%arg13 : memref<!tpu.dma_semaphore, #tpu.memory_space<semaphore_mem>>)
    %scan3A_19 = arith.constant 0 : i32
    %scan3A_20 = arith.constant 0 : i32
    %scan3A_21 = arith.constant 10 : i32
    %scan3A_22 = arith.addi %scan3A_20, %scan3A_21 : i32
    %scan3A_23 = arith.constant 1 : i32
    %scan3A_24 = scf.for %scan3A_37 = %scan3A_20 to %scan3A_22 step %scan3A_23 iter_args(%scan3A_38 = %scan3A_19) -> (i32)  : i32 {
      %mul3A_39 = arith.constant 4 : i32
      %mul3A_40 = arith.muli %scan3A_37, %mul3A_39 : i32
      %add3A_41 = arith.constant 0 : i32
      %add3A_42 = arith.addi %mul3A_40, %add3A_41 : i32
      %mul3A_43 = arith.constant 1280 : i32
      %mul3A_44 = arith.muli %add3A_42, %mul3A_43 : i32
      %add3A_45 = arith.addi %mul3A_2, %mul3A_44 : i32
      %dma_wait3A_46 = tpu.memref_slice %arg2[%add3A_45] : memref<1638400xi32, #tpu.memory_space<hbm>> -> memref<1280xi32, #tpu.memory_space<hbm>>
      %dma_wait3A_47 = tpu.memref_slice %arg2[%add3A_45] : memref<1638400xi32, #tpu.memory_space<hbm>> -> memref<1280xi32, #tpu.memory_space<hbm>>
      tpu.wait_dma2 semaphore(%arg12 : memref<!tpu.dma_semaphore, #tpu.memory_space<semaphore_mem>>) src(%dma_wait3A_47 : memref<1280xi32, #tpu.memory_space<hbm>>) dst(%arg6 : memref<1280xi32, #tpu.memory_space<vmem>>)
      %ge3A = arith.constant 2 : i32
      %ge3A_48 = arith.cmpi sge, %add3A_42, %ge3A : i32
      %convert_element_type3A = arith.extui %ge3A_48 : i1 to i32
      %cond3A = arith.constant 0 : i32
      %cond3A_49 = arith.cmpi ne, %convert_element_type3A, %cond3A : i32
      scf.if %cond3A_49 {
        %sub3A = arith.constant 2 : i32
        %sub3A_179 = arith.subi %add3A_42, %sub3A : i32
        %mul3A_180 = arith.constant 1280 : i32
        %mul3A_181 = arith.muli %sub3A_179, %mul3A_180 : i32
        %add3A_182 = arith.addi %mul3A_2, %mul3A_181 : i32
        %dma_wait3A_183 = arith.constant 0 : i32
        %dma_wait3A_184 = tpu.memref_slice %arg3[%dma_wait3A_183, %add3A_182] : memref<25x1638400xf32, #tpu.memory_space<hbm>> -> memref<25x1280xf32, #tpu.memory_space<hbm>>
        %dma_wait3A_185 = arith.constant 0 : i32
        %dma_wait3A_186 = tpu.memref_slice %arg3[%dma_wait3A_185, %add3A_182] : memref<25x1638400xf32, #tpu.memory_space<hbm>> -> memref<25x1280xf32, #tpu.memory_space<hbm>>
        tpu.wait_dma2 semaphore(%arg10 : memref<!tpu.dma_semaphore, #tpu.memory_space<semaphore_mem>>) src(%arg4 : memref<25x1280xf32, #tpu.memory_space<vmem>>) dst(%dma_wait3A_186 : memref<25x1280xf32, #tpu.memory_space<hbm>>)
        %iota3A_187 = tpu.iota {dimensions = array<i32: 0>} : vector<16xi32>
        %scan3A_188 = arith.constant 0 : i32
        %scan3A_189 = arith.constant 0 : i32
        %scan3A_190 = arith.constant 10 : i32
        %scan3A_191 = arith.addi %scan3A_189, %scan3A_190 : i32
        %scan3A_192 = arith.constant 1 : i32
        %scan3A_193 = scf.for %scan3A_195 = %scan3A_189 to %scan3A_191 step %scan3A_192 iter_args(%scan3A_196 = %scan3A_188) -> (i32)  : i32 {
          %mul3A_197 = arith.constant 128 : i32
          %mul3A_198 = arith.muli %scan3A_195, %mul3A_197 : i32
          %add3A_199 = arith.constant 0 : i32
          %add3A_200 = arith.addi %mul3A_198, %add3A_199 : i32
          %get3A = arith.index_cast %add3A_200 : i32 to index
          %get3A_201 = tpu.vector_load %arg8[%get3A] {strides = array<i32>} : memref<1280xi32, #tpu.memory_space<vmem>>, vector<16xi32>,
          %add3A_202 = arith.constant 0 : i32
          %add3A_203 = arith.addi %mul3A_198, %add3A_202 : i32
          %add3A_204 = vector.broadcast %add3A_203 : i32 to vector<16xi32>
          %add3A_205 = arith.addi %add3A_204, %iota3A_187 : vector<16xi32>
          tpu.vector_store_idx %arg4[%get3A_201, %add3A_205], %broadcast_in_dim3A_5 : memref<25x1280xf32, #tpu.memory_space<vmem>>[vector<16xi32>, vector<16xi32>], vector<16xf32>,
          %add3A_206 = arith.constant 16 : i32
          %add3A_207 = arith.addi %mul3A_198, %add3A_206 : i32
          %get3A_208 = arith.index_cast %add3A_207 : i32 to index
          %get3A_209 = tpu.vector_load %arg8[%get3A_208] {strides = array<i32>} : memref<1280xi32, #tpu.memory_space<vmem>>, vector<16xi32>,
          %add3A_210 = arith.constant 16 : i32
          %add3A_211 = arith.addi %mul3A_198, %add3A_210 : i32
          %add3A_212 = vector.broadcast %add3A_211 : i32 to vector<16xi32>
          %add3A_213 = arith.addi %add3A_212, %iota3A_187 : vector<16xi32>
          tpu.vector_store_idx %arg4[%get3A_209, %add3A_213], %broadcast_in_dim3A_5 : memref<25x1280xf32, #tpu.memory_space<vmem>>[vector<16xi32>, vector<16xi32>], vector<16xf32>,
          %add3A_214 = arith.constant 32 : i32
          %add3A_215 = arith.addi %mul3A_198, %add3A_214 : i32
          %get3A_216 = arith.index_cast %add3A_215 : i32 to index
          %get3A_217 = tpu.vector_load %arg8[%get3A_216] {strides = array<i32>} : memref<1280xi32, #tpu.memory_space<vmem>>, vector<16xi32>,
          %add3A_218 = arith.constant 32 : i32
          %add3A_219 = arith.addi %mul3A_198, %add3A_218 : i32
          %add3A_220 = vector.broadcast %add3A_219 : i32 to vector<16xi32>
          %add3A_221 = arith.addi %add3A_220, %iota3A_187 : vector<16xi32>
          tpu.vector_store_idx %arg4[%get3A_217, %add3A_221], %broadcast_in_dim3A_5 : memref<25x1280xf32, #tpu.memory_space<vmem>>[vector<16xi32>, vector<16xi32>], vector<16xf32>,
          %add3A_222 = arith.constant 48 : i32
          %add3A_223 = arith.addi %mul3A_198, %add3A_222 : i32
          %get3A_224 = arith.index_cast %add3A_223 : i32 to index
          %get3A_225 = tpu.vector_load %arg8[%get3A_224] {strides = array<i32>} : memref<1280xi32, #tpu.memory_space<vmem>>, vector<16xi32>,
          %add3A_226 = arith.constant 48 : i32
          %add3A_227 = arith.addi %mul3A_198, %add3A_226 : i32
          %add3A_228 = vector.broadcast %add3A_227 : i32 to vector<16xi32>
          %add3A_229 = arith.addi %add3A_228, %iota3A_187 : vector<16xi32>
          tpu.vector_store_idx %arg4[%get3A_225, %add3A_229], %broadcast_in_dim3A_5 : memref<25x1280xf32, #tpu.memory_space<vmem>>[vector<16xi32>, vector<16xi32>], vector<16xf32>,
          %add3A_230 = arith.constant 64 : i32
          %add3A_231 = arith.addi %mul3A_198, %add3A_230 : i32
          %get3A_232 = arith.index_cast %add3A_231 : i32 to index
          %get3A_233 = tpu.vector_load %arg8[%get3A_232] {strides = array<i32>} : memref<1280xi32, #tpu.memory_space<vmem>>, vector<16xi32>,
          %add3A_234 = arith.constant 64 : i32
          %add3A_235 = arith.addi %mul3A_198, %add3A_234 : i32
          %add3A_236 = vector.broadcast %add3A_235 : i32 to vector<16xi32>
          %add3A_237 = arith.addi %add3A_236, %iota3A_187 : vector<16xi32>
          tpu.vector_store_idx %arg4[%get3A_233, %add3A_237], %broadcast_in_dim3A_5 : memref<25x1280xf32, #tpu.memory_space<vmem>>[vector<16xi32>, vector<16xi32>], vector<16xf32>,
          %add3A_238 = arith.constant 80 : i32
          %add3A_239 = arith.addi %mul3A_198, %add3A_238 : i32
          %get3A_240 = arith.index_cast %add3A_239 : i32 to index
          %get3A_241 = tpu.vector_load %arg8[%get3A_240] {strides = array<i32>} : memref<1280xi32, #tpu.memory_space<vmem>>, vector<16xi32>,
          %add3A_242 = arith.constant 80 : i32
          %add3A_243 = arith.addi %mul3A_198, %add3A_242 : i32
          %add3A_244 = vector.broadcast %add3A_243 : i32 to vector<16xi32>
          %add3A_245 = arith.addi %add3A_244, %iota3A_187 : vector<16xi32>
          tpu.vector_store_idx %arg4[%get3A_241, %add3A_245], %broadcast_in_dim3A_5 : memref<25x1280xf32, #tpu.memory_space<vmem>>[vector<16xi32>, vector<16xi32>], vector<16xf32>,
          %add3A_246 = arith.constant 96 : i32
          %add3A_247 = arith.addi %mul3A_198, %add3A_246 : i32
          %get3A_248 = arith.index_cast %add3A_247 : i32 to index
          %get3A_249 = tpu.vector_load %arg8[%get3A_248] {strides = array<i32>} : memref<1280xi32, #tpu.memory_space<vmem>>, vector<16xi32>,
          %add3A_250 = arith.constant 96 : i32
          %add3A_251 = arith.addi %mul3A_198, %add3A_250 : i32
          %add3A_252 = vector.broadcast %add3A_251 : i32 to vector<16xi32>
          %add3A_253 = arith.addi %add3A_252, %iota3A_187 : vector<16xi32>
          tpu.vector_store_idx %arg4[%get3A_249, %add3A_253], %broadcast_in_dim3A_5 : memref<25x1280xf32, #tpu.memory_space<vmem>>[vector<16xi32>, vector<16xi32>], vector<16xf32>,
          %add3A_254 = arith.constant 112 : i32
          %add3A_255 = arith.addi %mul3A_198, %add3A_254 : i32
          %get3A_256 = arith.index_cast %add3A_255 : i32 to index
          %get3A_257 = tpu.vector_load %arg8[%get3A_256] {strides = array<i32>} : memref<1280xi32, #tpu.memory_space<vmem>>, vector<16xi32>,
          %add3A_258 = arith.constant 112 : i32
          %add3A_259 = arith.addi %mul3A_198, %add3A_258 : i32
          %add3A_260 = vector.broadcast %add3A_259 : i32 to vector<16xi32>
          %add3A_261 = arith.addi %add3A_260, %iota3A_187 : vector<16xi32>
          tpu.vector_store_idx %arg4[%get3A_257, %add3A_261], %broadcast_in_dim3A_5 : memref<25x1280xf32, #tpu.memory_space<vmem>>[vector<16xi32>, vector<16xi32>], vector<16xf32>,
          %scan3A_262 = arith.constant 0 : i32
          scf.yield %scan3A_262 : i32
        }
        %scan3A_194 = arith.constant 10 : i32
      } else {
      }
      %iota3A = tpu.iota {dimensions = array<i32: 0>} : vector<16xi32>
      %scan3A_50 = arith.constant 0 : i32
      %scan3A_51 = arith.constant 0 : i32
      %scan3A_52 = arith.constant 10 : i32
      %scan3A_53 = arith.addi %scan3A_51, %scan3A_52 : i32
      %scan3A_54 = arith.constant 1 : i32
      %scan3A_55 = scf.for %scan3A_179 = %scan3A_51 to %scan3A_53 step %scan3A_54 iter_args(%scan3A_180 = %scan3A_50) -> (i32)  : i32 {
        %mul3A_181 = arith.constant 128 : i32
        %mul3A_182 = arith.muli %scan3A_179, %mul3A_181 : i32
        %add3A_183 = arith.constant 0 : i32
        %add3A_184 = arith.addi %mul3A_182, %add3A_183 : i32
        %get3A = arith.index_cast %add3A_184 : i32 to index
        %get3A_185 = tpu.vector_load %arg6[%get3A] {strides = array<i32>} : memref<1280xi32, #tpu.memory_space<vmem>>, vector<16xi32>,
        %add3A_186 = arith.constant 0 : i32
        %add3A_187 = arith.addi %mul3A_182, %add3A_186 : i32
        %add3A_188 = vector.broadcast %add3A_187 : i32 to vector<16xi32>
        %add3A_189 = arith.addi %add3A_188, %iota3A : vector<16xi32>
        tpu.vector_store_idx %arg4[%get3A_185, %add3A_189], %broadcast_in_dim3A_3 : memref<25x1280xf32, #tpu.memory_space<vmem>>[vector<16xi32>, vector<16xi32>], vector<16xf32>,
        %add3A_190 = arith.constant 16 : i32
        %add3A_191 = arith.addi %mul3A_182, %add3A_190 : i32
        %get3A_192 = arith.index_cast %add3A_191 : i32 to index
        %get3A_193 = tpu.vector_load %arg6[%get3A_192] {strides = array<i32>} : memref<1280xi32, #tpu.memory_space<vmem>>, vector<16xi32>,
        %add3A_194 = arith.constant 16 : i32
        %add3A_195 = arith.addi %mul3A_182, %add3A_194 : i32
        %add3A_196 = vector.broadcast %add3A_195 : i32 to vector<16xi32>
        %add3A_197 = arith.addi %add3A_196, %iota3A : vector<16xi32>
        tpu.vector_store_idx %arg4[%get3A_193, %add3A_197], %broadcast_in_dim3A_3 : memref<25x1280xf32, #tpu.memory_space<vmem>>[vector<16xi32>, vector<16xi32>], vector<16xf32>,
        %add3A_198 = arith.constant 32 : i32
        %add3A_199 = arith.addi %mul3A_182, %add3A_198 : i32
        %get3A_200 = arith.index_cast %add3A_199 : i32 to index
        %get3A_201 = tpu.vector_load %arg6[%get3A_200] {strides = array<i32>} : memref<1280xi32, #tpu.memory_space<vmem>>, vector<16xi32>,
        %add3A_202 = arith.constant 32 : i32
        %add3A_203 = arith.addi %mul3A_182, %add3A_202 : i32
        %add3A_204 = vector.broadcast %add3A_203 : i32 to vector<16xi32>
        %add3A_205 = arith.addi %add3A_204, %iota3A : vector<16xi32>
        tpu.vector_store_idx %arg4[%get3A_201, %add3A_205], %broadcast_in_dim3A_3 : memref<25x1280xf32, #tpu.memory_space<vmem>>[vector<16xi32>, vector<16xi32>], vector<16xf32>,
        %add3A_206 = arith.constant 48 : i32
        %add3A_207 = arith.addi %mul3A_182, %add3A_206 : i32
        %get3A_208 = arith.index_cast %add3A_207 : i32 to index
        %get3A_209 = tpu.vector_load %arg6[%get3A_208] {strides = array<i32>} : memref<1280xi32, #tpu.memory_space<vmem>>, vector<16xi32>,
        %add3A_210 = arith.constant 48 : i32
        %add3A_211 = arith.addi %mul3A_182, %add3A_210 : i32
        %add3A_212 = vector.broadcast %add3A_211 : i32 to vector<16xi32>
        %add3A_213 = arith.addi %add3A_212, %iota3A : vector<16xi32>
        tpu.vector_store_idx %arg4[%get3A_209, %add3A_213], %broadcast_in_dim3A_3 : memref<25x1280xf32, #tpu.memory_space<vmem>>[vector<16xi32>, vector<16xi32>], vector<16xf32>,
        %add3A_214 = arith.constant 64 : i32
        %add3A_215 = arith.addi %mul3A_182, %add3A_214 : i32
        %get3A_216 = arith.index_cast %add3A_215 : i32 to index
        %get3A_217 = tpu.vector_load %arg6[%get3A_216] {strides = array<i32>} : memref<1280xi32, #tpu.memory_space<vmem>>, vector<16xi32>,
        %add3A_218 = arith.constant 64 : i32
        %add3A_219 = arith.addi %mul3A_182, %add3A_218 : i32
        %add3A_220 = vector.broadcast %add3A_219 : i32 to vector<16xi32>
        %add3A_221 = arith.addi %add3A_220, %iota3A : vector<16xi32>
        tpu.vector_store_idx %arg4[%get3A_217, %add3A_221], %broadcast_in_dim3A_3 : memref<25x1280xf32, #tpu.memory_space<vmem>>[vector<16xi32>, vector<16xi32>], vector<16xf32>,
        %add3A_222 = arith.constant 80 : i32
        %add3A_223 = arith.addi %mul3A_182, %add3A_222 : i32
        %get3A_224 = arith.index_cast %add3A_223 : i32 to index
        %get3A_225 = tpu.vector_load %arg6[%get3A_224] {strides = array<i32>} : memref<1280xi32, #tpu.memory_space<vmem>>, vector<16xi32>,
        %add3A_226 = arith.constant 80 : i32
        %add3A_227 = arith.addi %mul3A_182, %add3A_226 : i32
        %add3A_228 = vector.broadcast %add3A_227 : i32 to vector<16xi32>
        %add3A_229 = arith.addi %add3A_228, %iota3A : vector<16xi32>
        tpu.vector_store_idx %arg4[%get3A_225, %add3A_229], %broadcast_in_dim3A_3 : memref<25x1280xf32, #tpu.memory_space<vmem>>[vector<16xi32>, vector<16xi32>], vector<16xf32>,
        %add3A_230 = arith.constant 96 : i32
        %add3A_231 = arith.addi %mul3A_182, %add3A_230 : i32
        %get3A_232 = arith.index_cast %add3A_231 : i32 to index
        %get3A_233 = tpu.vector_load %arg6[%get3A_232] {strides = array<i32>} : memref<1280xi32, #tpu.memory_space<vmem>>, vector<16xi32>,
        %add3A_234 = arith.constant 96 : i32
        %add3A_235 = arith.addi %mul3A_182, %add3A_234 : i32
        %add3A_236 = vector.broadcast %add3A_235 : i32 to vector<16xi32>
        %add3A_237 = arith.addi %add3A_236, %iota3A : vector<16xi32>
        tpu.vector_store_idx %arg4[%get3A_233, %add3A_237], %broadcast_in_dim3A_3 : memref<25x1280xf32, #tpu.memory_space<vmem>>[vector<16xi32>, vector<16xi32>], vector<16xf32>,
        %add3A_238 = arith.constant 112 : i32
        %add3A_239 = arith.addi %mul3A_182, %add3A_238 : i32
        %get3A_240 = arith.index_cast %add3A_239 : i32 to index
        %get3A_241 = tpu.vector_load %arg6[%get3A_240] {strides = array<i32>} : memref<1280xi32, #tpu.memory_space<vmem>>, vector<16xi32>,
        %add3A_242 = arith.constant 112 : i32
        %add3A_243 = arith.addi %mul3A_182, %add3A_242 : i32
        %add3A_244 = vector.broadcast %add3A_243 : i32 to vector<16xi32>
        %add3A_245 = arith.addi %add3A_244, %iota3A : vector<16xi32>
        tpu.vector_store_idx %arg4[%get3A_241, %add3A_245], %broadcast_in_dim3A_3 : memref<25x1280xf32, #tpu.memory_space<vmem>>[vector<16xi32>, vector<16xi32>], vector<16xf32>,
        %scan3A_246 = arith.constant 0 : i32
        scf.yield %scan3A_246 : i32
      }
      %scan3A_56 = arith.constant 10 : i32
      %mul3A_57 = arith.constant 1280 : i32
      %mul3A_58 = arith.muli %add3A_42, %mul3A_57 : i32
      %add3A_59 = arith.addi %mul3A_2, %mul3A_58 : i32
      %dma_start3A_60 = arith.constant 0 : i32
      %dma_start3A_61 = tpu.memref_slice %arg3[%dma_start3A_60, %add3A_59] : memref<25x1638400xf32, #tpu.memory_space<hbm>> -> memref<25x1280xf32, #tpu.memory_space<hbm>>
      %dma_start3A_62 = arith.constant 0 : i32
      %dma_start3A_63 = tpu.memref_slice %arg3[%dma_start3A_62, %add3A_59] : memref<25x1638400xf32, #tpu.memory_space<hbm>> -> memref<25x1280xf32, #tpu.memory_space<hbm>>
      tpu.enqueue_dma source(%arg4 : memref<25x1280xf32, #tpu.memory_space<vmem>>) target(%dma_start3A_63 : memref<25x1280xf32, #tpu.memory_space<hbm>>) target_semaphore(%arg10 : memref<!tpu.dma_semaphore, #tpu.memory_space<semaphore_mem>>)
      %add3A_64 = arith.constant 2 : i32
      %add3A_65 = arith.addi %add3A_42, %add3A_64 : i32
      %lt3A = arith.constant 40 : i32
      %lt3A_66 = arith.cmpi slt, %add3A_65, %lt3A : i32
      %convert_element_type3A_67 = arith.extui %lt3A_66 : i1 to i32
      %cond3A_68 = arith.constant 0 : i32
      %cond3A_69 = arith.cmpi ne, %convert_element_type3A_67, %cond3A_68 : i32
      scf.if %cond3A_69 {
        %add3A_179 = arith.constant 2 : i32
        %add3A_180 = arith.addi %add3A_42, %add3A_179 : i32
        %mul3A_181 = arith.constant 1280 : i32
        %mul3A_182 = arith.muli %add3A_180, %mul3A_181 : i32
        %add3A_183 = arith.addi %mul3A_2, %mul3A_182 : i32
        %dma_start3A_184 = tpu.memref_slice %arg2[%add3A_183] : memref<1638400xi32, #tpu.memory_space<hbm>> -> memref<1280xi32, #tpu.memory_space<hbm>>
        %dma_start3A_185 = tpu.memref_slice %arg2[%add3A_183] : memref<1638400xi32, #tpu.memory_space<hbm>> -> memref<1280xi32, #tpu.memory_space<hbm>>
        tpu.enqueue_dma source(%dma_start3A_185 : memref<1280xi32, #tpu.memory_space<hbm>>) target(%arg8 : memref<1280xi32, #tpu.memory_space<vmem>>) target_semaphore(%arg14 : memref<!tpu.dma_semaphore, #tpu.memory_space<semaphore_mem>>)
      } else {
      }
      %mul3A_70 = arith.constant 4 : i32
      %mul3A_71 = arith.muli %scan3A_37, %mul3A_70 : i32
      %add3A_72 = arith.constant 1 : i32
      %add3A_73 = arith.addi %mul3A_71, %add3A_72 : i32
      %mul3A_74 = arith.constant 1280 : i32
      %mul3A_75 = arith.muli %add3A_73, %mul3A_74 : i32
      %add3A_76 = arith.addi %mul3A_2, %mul3A_75 : i32
      %dma_wait3A_77 = tpu.memref_slice %arg2[%add3A_76] : memref<1638400xi32, #tpu.memory_space<hbm>> -> memref<1280xi32, #tpu.memory_space<hbm>>
      %dma_wait3A_78 = tpu.memref_slice %arg2[%add3A_76] : memref<1638400xi32, #tpu.memory_space<hbm>> -> memref<1280xi32, #tpu.memory_space<hbm>>
      tpu.wait_dma2 semaphore(%arg13 : memref<!tpu.dma_semaphore, #tpu.memory_space<semaphore_mem>>) src(%dma_wait3A_78 : memref<1280xi32, #tpu.memory_space<hbm>>) dst(%arg7 : memref<1280xi32, #tpu.memory_space<vmem>>)
      %ge3A_79 = arith.constant 2 : i32
      %ge3A_80 = arith.cmpi sge, %add3A_73, %ge3A_79 : i32
      %convert_element_type3A_81 = arith.extui %ge3A_80 : i1 to i32
      %cond3A_82 = arith.constant 0 : i32
      %cond3A_83 = arith.cmpi ne, %convert_element_type3A_81, %cond3A_82 : i32
      scf.if %cond3A_83 {
        %sub3A = arith.constant 2 : i32
        %sub3A_179 = arith.subi %add3A_73, %sub3A : i32
        %mul3A_180 = arith.constant 1280 : i32
        %mul3A_181 = arith.muli %sub3A_179, %mul3A_180 : i32
        %add3A_182 = arith.addi %mul3A_2, %mul3A_181 : i32
        %dma_wait3A_183 = arith.constant 0 : i32
        %dma_wait3A_184 = tpu.memref_slice %arg3[%dma_wait3A_183, %add3A_182] : memref<25x1638400xf32, #tpu.memory_space<hbm>> -> memref<25x1280xf32, #tpu.memory_space<hbm>>
        %dma_wait3A_185 = arith.constant 0 : i32
        %dma_wait3A_186 = tpu.memref_slice %arg3[%dma_wait3A_185, %add3A_182] : memref<25x1638400xf32, #tpu.memory_space<hbm>> -> memref<25x1280xf32, #tpu.memory_space<hbm>>
        tpu.wait_dma2 semaphore(%arg11 : memref<!tpu.dma_semaphore, #tpu.memory_space<semaphore_mem>>) src(%arg5 : memref<25x1280xf32, #tpu.memory_space<vmem>>) dst(%dma_wait3A_186 : memref<25x1280xf32, #tpu.memory_space<hbm>>)
        %iota3A_187 = tpu.iota {dimensions = array<i32: 0>} : vector<16xi32>
        %scan3A_188 = arith.constant 0 : i32
        %scan3A_189 = arith.constant 0 : i32
        %scan3A_190 = arith.constant 10 : i32
        %scan3A_191 = arith.addi %scan3A_189, %scan3A_190 : i32
        %scan3A_192 = arith.constant 1 : i32
        %scan3A_193 = scf.for %scan3A_195 = %scan3A_189 to %scan3A_191 step %scan3A_192 iter_args(%scan3A_196 = %scan3A_188) -> (i32)  : i32 {
          %mul3A_197 = arith.constant 128 : i32
          %mul3A_198 = arith.muli %scan3A_195, %mul3A_197 : i32
          %add3A_199 = arith.constant 0 : i32
          %add3A_200 = arith.addi %mul3A_198, %add3A_199 : i32
          %get3A = arith.index_cast %add3A_200 : i32 to index
          %get3A_201 = tpu.vector_load %arg9[%get3A] {strides = array<i32>} : memref<1280xi32, #tpu.memory_space<vmem>>, vector<16xi32>,
          %add3A_202 = arith.constant 0 : i32
          %add3A_203 = arith.addi %mul3A_198, %add3A_202 : i32
          %add3A_204 = vector.broadcast %add3A_203 : i32 to vector<16xi32>
          %add3A_205 = arith.addi %add3A_204, %iota3A_187 : vector<16xi32>
          tpu.vector_store_idx %arg5[%get3A_201, %add3A_205], %broadcast_in_dim3A_5 : memref<25x1280xf32, #tpu.memory_space<vmem>>[vector<16xi32>, vector<16xi32>], vector<16xf32>,
          %add3A_206 = arith.constant 16 : i32
          %add3A_207 = arith.addi %mul3A_198, %add3A_206 : i32
          %get3A_208 = arith.index_cast %add3A_207 : i32 to index
          %get3A_209 = tpu.vector_load %arg9[%get3A_208] {strides = array<i32>} : memref<1280xi32, #tpu.memory_space<vmem>>, vector<16xi32>,
          %add3A_210 = arith.constant 16 : i32
          %add3A_211 = arith.addi %mul3A_198, %add3A_210 : i32
          %add3A_212 = vector.broadcast %add3A_211 : i32 to vector<16xi32>
          %add3A_213 = arith.addi %add3A_212, %iota3A_187 : vector<16xi32>
          tpu.vector_store_idx %arg5[%get3A_209, %add3A_213], %broadcast_in_dim3A_5 : memref<25x1280xf32, #tpu.memory_space<vmem>>[vector<16xi32>, vector<16xi32>], vector<16xf32>,
          %add3A_214 = arith.constant 32 : i32
          %add3A_215 = arith.addi %mul3A_198, %add3A_214 : i32
          %get3A_216 = arith.index_cast %add3A_215 : i32 to index
          %get3A_217 = tpu.vector_load %arg9[%get3A_216] {strides = array<i32>} : memref<1280xi32, #tpu.memory_space<vmem>>, vector<16xi32>,
          %add3A_218 = arith.constant 32 : i32
          %add3A_219 = arith.addi %mul3A_198, %add3A_218 : i32
          %add3A_220 = vector.broadcast %add3A_219 : i32 to vector<16xi32>
          %add3A_221 = arith.addi %add3A_220, %iota3A_187 : vector<16xi32>
          tpu.vector_store_idx %arg5[%get3A_217, %add3A_221], %broadcast_in_dim3A_5 : memref<25x1280xf32, #tpu.memory_space<vmem>>[vector<16xi32>, vector<16xi32>], vector<16xf32>,
          %add3A_222 = arith.constant 48 : i32
          %add3A_223 = arith.addi %mul3A_198, %add3A_222 : i32
          %get3A_224 = arith.index_cast %add3A_223 : i32 to index
          %get3A_225 = tpu.vector_load %arg9[%get3A_224] {strides = array<i32>} : memref<1280xi32, #tpu.memory_space<vmem>>, vector<16xi32>,
          %add3A_226 = arith.constant 48 : i32
          %add3A_227 = arith.addi %mul3A_198, %add3A_226 : i32
          %add3A_228 = vector.broadcast %add3A_227 : i32 to vector<16xi32>
          %add3A_229 = arith.addi %add3A_228, %iota3A_187 : vector<16xi32>
          tpu.vector_store_idx %arg5[%get3A_225, %add3A_229], %broadcast_in_dim3A_5 : memref<25x1280xf32, #tpu.memory_space<vmem>>[vector<16xi32>, vector<16xi32>], vector<16xf32>,
          %add3A_230 = arith.constant 64 : i32
          %add3A_231 = arith.addi %mul3A_198, %add3A_230 : i32
          %get3A_232 = arith.index_cast %add3A_231 : i32 to index
          %get3A_233 = tpu.vector_load %arg9[%get3A_232] {strides = array<i32>} : memref<1280xi32, #tpu.memory_space<vmem>>, vector<16xi32>,
          %add3A_234 = arith.constant 64 : i32
          %add3A_235 = arith.addi %mul3A_198, %add3A_234 : i32
          %add3A_236 = vector.broadcast %add3A_235 : i32 to vector<16xi32>
          %add3A_237 = arith.addi %add3A_236, %iota3A_187 : vector<16xi32>
          tpu.vector_store_idx %arg5[%get3A_233, %add3A_237], %broadcast_in_dim3A_5 : memref<25x1280xf32, #tpu.memory_space<vmem>>[vector<16xi32>, vector<16xi32>], vector<16xf32>,
          %add3A_238 = arith.constant 80 : i32
          %add3A_239 = arith.addi %mul3A_198, %add3A_238 : i32
          %get3A_240 = arith.index_cast %add3A_239 : i32 to index
          %get3A_241 = tpu.vector_load %arg9[%get3A_240] {strides = array<i32>} : memref<1280xi32, #tpu.memory_space<vmem>>, vector<16xi32>,
          %add3A_242 = arith.constant 80 : i32
          %add3A_243 = arith.addi %mul3A_198, %add3A_242 : i32
          %add3A_244 = vector.broadcast %add3A_243 : i32 to vector<16xi32>
          %add3A_245 = arith.addi %add3A_244, %iota3A_187 : vector<16xi32>
          tpu.vector_store_idx %arg5[%get3A_241, %add3A_245], %broadcast_in_dim3A_5 : memref<25x1280xf32, #tpu.memory_space<vmem>>[vector<16xi32>, vector<16xi32>], vector<16xf32>,
          %add3A_246 = arith.constant 96 : i32
          %add3A_247 = arith.addi %mul3A_198, %add3A_246 : i32
          %get3A_248 = arith.index_cast %add3A_247 : i32 to index
          %get3A_249 = tpu.vector_load %arg9[%get3A_248] {strides = array<i32>} : memref<1280xi32, #tpu.memory_space<vmem>>, vector<16xi32>,
          %add3A_250 = arith.constant 96 : i32
          %add3A_251 = arith.addi %mul3A_198, %add3A_250 : i32
          %add3A_252 = vector.broadcast %add3A_251 : i32 to vector<16xi32>
          %add3A_253 = arith.addi %add3A_252, %iota3A_187 : vector<16xi32>
          tpu.vector_store_idx %arg5[%get3A_249, %add3A_253], %broadcast_in_dim3A_5 : memref<25x1280xf32, #tpu.memory_space<vmem>>[vector<16xi32>, vector<16xi32>], vector<16xf32>,
          %add3A_254 = arith.constant 112 : i32
          %add3A_255 = arith.addi %mul3A_198, %add3A_254 : i32
          %get3A_256 = arith.index_cast %add3A_255 : i32 to index
          %get3A_257 = tpu.vector_load %arg9[%get3A_256] {strides = array<i32>} : memref<1280xi32, #tpu.memory_space<vmem>>, vector<16xi32>,
          %add3A_258 = arith.constant 112 : i32
          %add3A_259 = arith.addi %mul3A_198, %add3A_258 : i32
          %add3A_260 = vector.broadcast %add3A_259 : i32 to vector<16xi32>
          %add3A_261 = arith.addi %add3A_260, %iota3A_187 : vector<16xi32>
          tpu.vector_store_idx %arg5[%get3A_257, %add3A_261], %broadcast_in_dim3A_5 : memref<25x1280xf32, #tpu.memory_space<vmem>>[vector<16xi32>, vector<16xi32>], vector<16xf32>,
          %scan3A_262 = arith.constant 0 : i32
          scf.yield %scan3A_262 : i32
        }
        %scan3A_194 = arith.constant 10 : i32
      } else {
      }
      %iota3A_84 = tpu.iota {dimensions = array<i32: 0>} : vector<16xi32>
      %scan3A_85 = arith.constant 0 : i32
      %scan3A_86 = arith.constant 0 : i32
      %scan3A_87 = arith.constant 10 : i32
      %scan3A_88 = arith.addi %scan3A_86, %scan3A_87 : i32
      %scan3A_89 = arith.constant 1 : i32
      %scan3A_90 = scf.for %scan3A_179 = %scan3A_86 to %scan3A_88 step %scan3A_89 iter_args(%scan3A_180 = %scan3A_85) -> (i32)  : i32 {
        %mul3A_181 = arith.constant 128 : i32
        %mul3A_182 = arith.muli %scan3A_179, %mul3A_181 : i32
        %add3A_183 = arith.constant 0 : i32
        %add3A_184 = arith.addi %mul3A_182, %add3A_183 : i32
        %get3A = arith.index_cast %add3A_184 : i32 to index
        %get3A_185 = tpu.vector_load %arg7[%get3A] {strides = array<i32>} : memref<1280xi32, #tpu.memory_space<vmem>>, vector<16xi32>,
        %add3A_186 = arith.constant 0 : i32
        %add3A_187 = arith.addi %mul3A_182, %add3A_186 : i32
        %add3A_188 = vector.broadcast %add3A_187 : i32 to vector<16xi32>
        %add3A_189 = arith.addi %add3A_188, %iota3A_84 : vector<16xi32>
        tpu.vector_store_idx %arg5[%get3A_185, %add3A_189], %broadcast_in_dim3A_3 : memref<25x1280xf32, #tpu.memory_space<vmem>>[vector<16xi32>, vector<16xi32>], vector<16xf32>,
        %add3A_190 = arith.constant 16 : i32
        %add3A_191 = arith.addi %mul3A_182, %add3A_190 : i32
        %get3A_192 = arith.index_cast %add3A_191 : i32 to index
        %get3A_193 = tpu.vector_load %arg7[%get3A_192] {strides = array<i32>} : memref<1280xi32, #tpu.memory_space<vmem>>, vector<16xi32>,
        %add3A_194 = arith.constant 16 : i32
        %add3A_195 = arith.addi %mul3A_182, %add3A_194 : i32
        %add3A_196 = vector.broadcast %add3A_195 : i32 to vector<16xi32>
        %add3A_197 = arith.addi %add3A_196, %iota3A_84 : vector<16xi32>
        tpu.vector_store_idx %arg5[%get3A_193, %add3A_197], %broadcast_in_dim3A_3 : memref<25x1280xf32, #tpu.memory_space<vmem>>[vector<16xi32>, vector<16xi32>], vector<16xf32>,
        %add3A_198 = arith.constant 32 : i32
        %add3A_199 = arith.addi %mul3A_182, %add3A_198 : i32
        %get3A_200 = arith.index_cast %add3A_199 : i32 to index
        %get3A_201 = tpu.vector_load %arg7[%get3A_200] {strides = array<i32>} : memref<1280xi32, #tpu.memory_space<vmem>>, vector<16xi32>,
        %add3A_202 = arith.constant 32 : i32
        %add3A_203 = arith.addi %mul3A_182, %add3A_202 : i32
        %add3A_204 = vector.broadcast %add3A_203 : i32 to vector<16xi32>
        %add3A_205 = arith.addi %add3A_204, %iota3A_84 : vector<16xi32>
        tpu.vector_store_idx %arg5[%get3A_201, %add3A_205], %broadcast_in_dim3A_3 : memref<25x1280xf32, #tpu.memory_space<vmem>>[vector<16xi32>, vector<16xi32>], vector<16xf32>,
        %add3A_206 = arith.constant 48 : i32
        %add3A_207 = arith.addi %mul3A_182, %add3A_206 : i32
        %get3A_208 = arith.index_cast %add3A_207 : i32 to index
        %get3A_209 = tpu.vector_load %arg7[%get3A_208] {strides = array<i32>} : memref<1280xi32, #tpu.memory_space<vmem>>, vector<16xi32>,
        %add3A_210 = arith.constant 48 : i32
        %add3A_211 = arith.addi %mul3A_182, %add3A_210 : i32
        %add3A_212 = vector.broadcast %add3A_211 : i32 to vector<16xi32>
        %add3A_213 = arith.addi %add3A_212, %iota3A_84 : vector<16xi32>
        tpu.vector_store_idx %arg5[%get3A_209, %add3A_213], %broadcast_in_dim3A_3 : memref<25x1280xf32, #tpu.memory_space<vmem>>[vector<16xi32>, vector<16xi32>], vector<16xf32>,
        %add3A_214 = arith.constant 64 : i32
        %add3A_215 = arith.addi %mul3A_182, %add3A_214 : i32
        %get3A_216 = arith.index_cast %add3A_215 : i32 to index
        %get3A_217 = tpu.vector_load %arg7[%get3A_216] {strides = array<i32>} : memref<1280xi32, #tpu.memory_space<vmem>>, vector<16xi32>,
        %add3A_218 = arith.constant 64 : i32
        %add3A_219 = arith.addi %mul3A_182, %add3A_218 : i32
        %add3A_220 = vector.broadcast %add3A_219 : i32 to vector<16xi32>
        %add3A_221 = arith.addi %add3A_220, %iota3A_84 : vector<16xi32>
        tpu.vector_store_idx %arg5[%get3A_217, %add3A_221], %broadcast_in_dim3A_3 : memref<25x1280xf32, #tpu.memory_space<vmem>>[vector<16xi32>, vector<16xi32>], vector<16xf32>,
        %add3A_222 = arith.constant 80 : i32
        %add3A_223 = arith.addi %mul3A_182, %add3A_222 : i32
        %get3A_224 = arith.index_cast %add3A_223 : i32 to index
        %get3A_225 = tpu.vector_load %arg7[%get3A_224] {strides = array<i32>} : memref<1280xi32, #tpu.memory_space<vmem>>, vector<16xi32>,
        %add3A_226 = arith.constant 80 : i32
        %add3A_227 = arith.addi %mul3A_182, %add3A_226 : i32
        %add3A_228 = vector.broadcast %add3A_227 : i32 to vector<16xi32>
        %add3A_229 = arith.addi %add3A_228, %iota3A_84 : vector<16xi32>
        tpu.vector_store_idx %arg5[%get3A_225, %add3A_229], %broadcast_in_dim3A_3 : memref<25x1280xf32, #tpu.memory_space<vmem>>[vector<16xi32>, vector<16xi32>], vector<16xf32>,
        %add3A_230 = arith.constant 96 : i32
        %add3A_231 = arith.addi %mul3A_182, %add3A_230 : i32
        %get3A_232 = arith.index_cast %add3A_231 : i32 to index
        %get3A_233 = tpu.vector_load %arg7[%get3A_232] {strides = array<i32>} : memref<1280xi32, #tpu.memory_space<vmem>>, vector<16xi32>,
        %add3A_234 = arith.constant 96 : i32
        %add3A_235 = arith.addi %mul3A_182, %add3A_234 : i32
        %add3A_236 = vector.broadcast %add3A_235 : i32 to vector<16xi32>
        %add3A_237 = arith.addi %add3A_236, %iota3A_84 : vector<16xi32>
        tpu.vector_store_idx %arg5[%get3A_233, %add3A_237], %broadcast_in_dim3A_3 : memref<25x1280xf32, #tpu.memory_space<vmem>>[vector<16xi32>, vector<16xi32>], vector<16xf32>,
        %add3A_238 = arith.constant 112 : i32
        %add3A_239 = arith.addi %mul3A_182, %add3A_238 : i32
        %get3A_240 = arith.index_cast %add3A_239 : i32 to index
        %get3A_241 = tpu.vector_load %arg7[%get3A_240] {strides = array<i32>} : memref<1280xi32, #tpu.memory_space<vmem>>, vector<16xi32>,
        %add3A_242 = arith.constant 112 : i32
        %add3A_243 = arith.addi %mul3A_182, %add3A_242 : i32
        %add3A_244 = vector.broadcast %add3A_243 : i32 to vector<16xi32>
        %add3A_245 = arith.addi %add3A_244, %iota3A_84 : vector<16xi32>
        tpu.vector_store_idx %arg5[%get3A_241, %add3A_245], %broadcast_in_dim3A_3 : memref<25x1280xf32, #tpu.memory_space<vmem>>[vector<16xi32>, vector<16xi32>], vector<16xf32>,
        %scan3A_246 = arith.constant 0 : i32
        scf.yield %scan3A_246 : i32
      }
      %scan3A_91 = arith.constant 10 : i32
      %mul3A_92 = arith.constant 1280 : i32
      %mul3A_93 = arith.muli %add3A_73, %mul3A_92 : i32
      %add3A_94 = arith.addi %mul3A_2, %mul3A_93 : i32
      %dma_start3A_95 = arith.constant 0 : i32
      %dma_start3A_96 = tpu.memref_slice %arg3[%dma_start3A_95, %add3A_94] : memref<25x1638400xf32, #tpu.memory_space<hbm>> -> memref<25x1280xf32, #tpu.memory_space<hbm>>
      %dma_start3A_97 = arith.constant 0 : i32
      %dma_start3A_98 = tpu.memref_slice %arg3[%dma_start3A_97, %add3A_94] : memref<25x1638400xf32, #tpu.memory_space<hbm>> -> memref<25x1280xf32, #tpu.memory_space<hbm>>
      tpu.enqueue_dma source(%arg5 : memref<25x1280xf32, #tpu.memory_space<vmem>>) target(%dma_start3A_98 : memref<25x1280xf32, #tpu.memory_space<hbm>>) target_semaphore(%arg11 : memref<!tpu.dma_semaphore, #tpu.memory_space<semaphore_mem>>)
      %add3A_99 = arith.constant 2 : i32
      %add3A_100 = arith.addi %add3A_73, %add3A_99 : i32
      %lt3A_101 = arith.constant 40 : i32
      %lt3A_102 = arith.cmpi slt, %add3A_100, %lt3A_101 : i32
      %convert_element_type3A_103 = arith.extui %lt3A_102 : i1 to i32
      %cond3A_104 = arith.constant 0 : i32
      %cond3A_105 = arith.cmpi ne, %convert_element_type3A_103, %cond3A_104 : i32
      scf.if %cond3A_105 {
        %add3A_179 = arith.constant 2 : i32
        %add3A_180 = arith.addi %add3A_73, %add3A_179 : i32
        %mul3A_181 = arith.constant 1280 : i32
        %mul3A_182 = arith.muli %add3A_180, %mul3A_181 : i32
        %add3A_183 = arith.addi %mul3A_2, %mul3A_182 : i32
        %dma_start3A_184 = tpu.memref_slice %arg2[%add3A_183] : memref<1638400xi32, #tpu.memory_space<hbm>> -> memref<1280xi32, #tpu.memory_space<hbm>>
        %dma_start3A_185 = tpu.memref_slice %arg2[%add3A_183] : memref<1638400xi32, #tpu.memory_space<hbm>> -> memref<1280xi32, #tpu.memory_space<hbm>>
        tpu.enqueue_dma source(%dma_start3A_185 : memref<1280xi32, #tpu.memory_space<hbm>>) target(%arg9 : memref<1280xi32, #tpu.memory_space<vmem>>) target_semaphore(%arg15 : memref<!tpu.dma_semaphore, #tpu.memory_space<semaphore_mem>>)
      } else {
      }
      %mul3A_106 = arith.constant 4 : i32
      %mul3A_107 = arith.muli %scan3A_37, %mul3A_106 : i32
      %add3A_108 = arith.constant 2 : i32
      %add3A_109 = arith.addi %mul3A_107, %add3A_108 : i32
      %mul3A_110 = arith.constant 1280 : i32
      %mul3A_111 = arith.muli %add3A_109, %mul3A_110 : i32
      %add3A_112 = arith.addi %mul3A_2, %mul3A_111 : i32
      %dma_wait3A_113 = tpu.memref_slice %arg2[%add3A_112] : memref<1638400xi32, #tpu.memory_space<hbm>> -> memref<1280xi32, #tpu.memory_space<hbm>>
      %dma_wait3A_114 = tpu.memref_slice %arg2[%add3A_112] : memref<1638400xi32, #tpu.memory_space<hbm>> -> memref<1280xi32, #tpu.memory_space<hbm>>
      tpu.wait_dma2 semaphore(%arg14 : memref<!tpu.dma_semaphore, #tpu.memory_space<semaphore_mem>>) src(%dma_wait3A_114 : memref<1280xi32, #tpu.memory_space<hbm>>) dst(%arg8 : memref<1280xi32, #tpu.memory_space<vmem>>)
      %ge3A_115 = arith.constant 2 : i32
      %ge3A_116 = arith.cmpi sge, %add3A_109, %ge3A_115 : i32
      %convert_element_type3A_117 = arith.extui %ge3A_116 : i1 to i32
      %cond3A_118 = arith.constant 0 : i32
      %cond3A_119 = arith.cmpi ne, %convert_element_type3A_117, %cond3A_118 : i32
      scf.if %cond3A_119 {
        %sub3A = arith.constant 2 : i32
        %sub3A_179 = arith.subi %add3A_109, %sub3A : i32
        %mul3A_180 = arith.constant 1280 : i32
        %mul3A_181 = arith.muli %sub3A_179, %mul3A_180 : i32
        %add3A_182 = arith.addi %mul3A_2, %mul3A_181 : i32
        %dma_wait3A_183 = arith.constant 0 : i32
        %dma_wait3A_184 = tpu.memref_slice %arg3[%dma_wait3A_183, %add3A_182] : memref<25x1638400xf32, #tpu.memory_space<hbm>> -> memref<25x1280xf32, #tpu.memory_space<hbm>>
        %dma_wait3A_185 = arith.constant 0 : i32
        %dma_wait3A_186 = tpu.memref_slice %arg3[%dma_wait3A_185, %add3A_182] : memref<25x1638400xf32, #tpu.memory_space<hbm>> -> memref<25x1280xf32, #tpu.memory_space<hbm>>
        tpu.wait_dma2 semaphore(%arg10 : memref<!tpu.dma_semaphore, #tpu.memory_space<semaphore_mem>>) src(%arg4 : memref<25x1280xf32, #tpu.memory_space<vmem>>) dst(%dma_wait3A_186 : memref<25x1280xf32, #tpu.memory_space<hbm>>)
        %iota3A_187 = tpu.iota {dimensions = array<i32: 0>} : vector<16xi32>
        %scan3A_188 = arith.constant 0 : i32
        %scan3A_189 = arith.constant 0 : i32
        %scan3A_190 = arith.constant 10 : i32
        %scan3A_191 = arith.addi %scan3A_189, %scan3A_190 : i32
        %scan3A_192 = arith.constant 1 : i32
        %scan3A_193 = scf.for %scan3A_195 = %scan3A_189 to %scan3A_191 step %scan3A_192 iter_args(%scan3A_196 = %scan3A_188) -> (i32)  : i32 {
          %mul3A_197 = arith.constant 128 : i32
          %mul3A_198 = arith.muli %scan3A_195, %mul3A_197 : i32
          %add3A_199 = arith.constant 0 : i32
          %add3A_200 = arith.addi %mul3A_198, %add3A_199 : i32
          %get3A = arith.index_cast %add3A_200 : i32 to index
          %get3A_201 = tpu.vector_load %arg6[%get3A] {strides = array<i32>} : memref<1280xi32, #tpu.memory_space<vmem>>, vector<16xi32>,
          %add3A_202 = arith.constant 0 : i32
          %add3A_203 = arith.addi %mul3A_198, %add3A_202 : i32
          %add3A_204 = vector.broadcast %add3A_203 : i32 to vector<16xi32>
          %add3A_205 = arith.addi %add3A_204, %iota3A_187 : vector<16xi32>
          tpu.vector_store_idx %arg4[%get3A_201, %add3A_205], %broadcast_in_dim3A_5 : memref<25x1280xf32, #tpu.memory_space<vmem>>[vector<16xi32>, vector<16xi32>], vector<16xf32>,
          %add3A_206 = arith.constant 16 : i32
          %add3A_207 = arith.addi %mul3A_198, %add3A_206 : i32
          %get3A_208 = arith.index_cast %add3A_207 : i32 to index
          %get3A_209 = tpu.vector_load %arg6[%get3A_208] {strides = array<i32>} : memref<1280xi32, #tpu.memory_space<vmem>>, vector<16xi32>,
          %add3A_210 = arith.constant 16 : i32
          %add3A_211 = arith.addi %mul3A_198, %add3A_210 : i32
          %add3A_212 = vector.broadcast %add3A_211 : i32 to vector<16xi32>
          %add3A_213 = arith.addi %add3A_212, %iota3A_187 : vector<16xi32>
          tpu.vector_store_idx %arg4[%get3A_209, %add3A_213], %broadcast_in_dim3A_5 : memref<25x1280xf32, #tpu.memory_space<vmem>>[vector<16xi32>, vector<16xi32>], vector<16xf32>,
          %add3A_214 = arith.constant 32 : i32
          %add3A_215 = arith.addi %mul3A_198, %add3A_214 : i32
          %get3A_216 = arith.index_cast %add3A_215 : i32 to index
          %get3A_217 = tpu.vector_load %arg6[%get3A_216] {strides = array<i32>} : memref<1280xi32, #tpu.memory_space<vmem>>, vector<16xi32>,
          %add3A_218 = arith.constant 32 : i32
          %add3A_219 = arith.addi %mul3A_198, %add3A_218 : i32
          %add3A_220 = vector.broadcast %add3A_219 : i32 to vector<16xi32>
          %add3A_221 = arith.addi %add3A_220, %iota3A_187 : vector<16xi32>
          tpu.vector_store_idx %arg4[%get3A_217, %add3A_221], %broadcast_in_dim3A_5 : memref<25x1280xf32, #tpu.memory_space<vmem>>[vector<16xi32>, vector<16xi32>], vector<16xf32>,
          %add3A_222 = arith.constant 48 : i32
          %add3A_223 = arith.addi %mul3A_198, %add3A_222 : i32
          %get3A_224 = arith.index_cast %add3A_223 : i32 to index
          %get3A_225 = tpu.vector_load %arg6[%get3A_224] {strides = array<i32>} : memref<1280xi32, #tpu.memory_space<vmem>>, vector<16xi32>,
          %add3A_226 = arith.constant 48 : i32
          %add3A_227 = arith.addi %mul3A_198, %add3A_226 : i32
          %add3A_228 = vector.broadcast %add3A_227 : i32 to vector<16xi32>
          %add3A_229 = arith.addi %add3A_228, %iota3A_187 : vector<16xi32>
          tpu.vector_store_idx %arg4[%get3A_225, %add3A_229], %broadcast_in_dim3A_5 : memref<25x1280xf32, #tpu.memory_space<vmem>>[vector<16xi32>, vector<16xi32>], vector<16xf32>,
          %add3A_230 = arith.constant 64 : i32
          %add3A_231 = arith.addi %mul3A_198, %add3A_230 : i32
          %get3A_232 = arith.index_cast %add3A_231 : i32 to index
          %get3A_233 = tpu.vector_load %arg6[%get3A_232] {strides = array<i32>} : memref<1280xi32, #tpu.memory_space<vmem>>, vector<16xi32>,
          %add3A_234 = arith.constant 64 : i32
          %add3A_235 = arith.addi %mul3A_198, %add3A_234 : i32
          %add3A_236 = vector.broadcast %add3A_235 : i32 to vector<16xi32>
          %add3A_237 = arith.addi %add3A_236, %iota3A_187 : vector<16xi32>
          tpu.vector_store_idx %arg4[%get3A_233, %add3A_237], %broadcast_in_dim3A_5 : memref<25x1280xf32, #tpu.memory_space<vmem>>[vector<16xi32>, vector<16xi32>], vector<16xf32>,
          %add3A_238 = arith.constant 80 : i32
          %add3A_239 = arith.addi %mul3A_198, %add3A_238 : i32
          %get3A_240 = arith.index_cast %add3A_239 : i32 to index
          %get3A_241 = tpu.vector_load %arg6[%get3A_240] {strides = array<i32>} : memref<1280xi32, #tpu.memory_space<vmem>>, vector<16xi32>,
          %add3A_242 = arith.constant 80 : i32
          %add3A_243 = arith.addi %mul3A_198, %add3A_242 : i32
          %add3A_244 = vector.broadcast %add3A_243 : i32 to vector<16xi32>
          %add3A_245 = arith.addi %add3A_244, %iota3A_187 : vector<16xi32>
          tpu.vector_store_idx %arg4[%get3A_241, %add3A_245], %broadcast_in_dim3A_5 : memref<25x1280xf32, #tpu.memory_space<vmem>>[vector<16xi32>, vector<16xi32>], vector<16xf32>,
          %add3A_246 = arith.constant 96 : i32
          %add3A_247 = arith.addi %mul3A_198, %add3A_246 : i32
          %get3A_248 = arith.index_cast %add3A_247 : i32 to index
          %get3A_249 = tpu.vector_load %arg6[%get3A_248] {strides = array<i32>} : memref<1280xi32, #tpu.memory_space<vmem>>, vector<16xi32>,
          %add3A_250 = arith.constant 96 : i32
          %add3A_251 = arith.addi %mul3A_198, %add3A_250 : i32
          %add3A_252 = vector.broadcast %add3A_251 : i32 to vector<16xi32>
          %add3A_253 = arith.addi %add3A_252, %iota3A_187 : vector<16xi32>
          tpu.vector_store_idx %arg4[%get3A_249, %add3A_253], %broadcast_in_dim3A_5 : memref<25x1280xf32, #tpu.memory_space<vmem>>[vector<16xi32>, vector<16xi32>], vector<16xf32>,
          %add3A_254 = arith.constant 112 : i32
          %add3A_255 = arith.addi %mul3A_198, %add3A_254 : i32
          %get3A_256 = arith.index_cast %add3A_255 : i32 to index
          %get3A_257 = tpu.vector_load %arg6[%get3A_256] {strides = array<i32>} : memref<1280xi32, #tpu.memory_space<vmem>>, vector<16xi32>,
          %add3A_258 = arith.constant 112 : i32
          %add3A_259 = arith.addi %mul3A_198, %add3A_258 : i32
          %add3A_260 = vector.broadcast %add3A_259 : i32 to vector<16xi32>
          %add3A_261 = arith.addi %add3A_260, %iota3A_187 : vector<16xi32>
          tpu.vector_store_idx %arg4[%get3A_257, %add3A_261], %broadcast_in_dim3A_5 : memref<25x1280xf32, #tpu.memory_space<vmem>>[vector<16xi32>, vector<16xi32>], vector<16xf32>,
          %scan3A_262 = arith.constant 0 : i32
          scf.yield %scan3A_262 : i32
        }
        %scan3A_194 = arith.constant 10 : i32
      } else {
      }
      %iota3A_120 = tpu.iota {dimensions = array<i32: 0>} : vector<16xi32>
      %scan3A_121 = arith.constant 0 : i32
      %scan3A_122 = arith.constant 0 : i32
      %scan3A_123 = arith.constant 10 : i32
      %scan3A_124 = arith.addi %scan3A_122, %scan3A_123 : i32
      %scan3A_125 = arith.constant 1 : i32
      %scan3A_126 = scf.for %scan3A_179 = %scan3A_122 to %scan3A_124 step %scan3A_125 iter_args(%scan3A_180 = %scan3A_121) -> (i32)  : i32 {
        %mul3A_181 = arith.constant 128 : i32
        %mul3A_182 = arith.muli %scan3A_179, %mul3A_181 : i32
        %add3A_183 = arith.constant 0 : i32
        %add3A_184 = arith.addi %mul3A_182, %add3A_183 : i32
        %get3A = arith.index_cast %add3A_184 : i32 to index
        %get3A_185 = tpu.vector_load %arg8[%get3A] {strides = array<i32>} : memref<1280xi32, #tpu.memory_space<vmem>>, vector<16xi32>,
        %add3A_186 = arith.constant 0 : i32
        %add3A_187 = arith.addi %mul3A_182, %add3A_186 : i32
        %add3A_188 = vector.broadcast %add3A_187 : i32 to vector<16xi32>
        %add3A_189 = arith.addi %add3A_188, %iota3A_120 : vector<16xi32>
        tpu.vector_store_idx %arg4[%get3A_185, %add3A_189], %broadcast_in_dim3A_3 : memref<25x1280xf32, #tpu.memory_space<vmem>>[vector<16xi32>, vector<16xi32>], vector<16xf32>,
        %add3A_190 = arith.constant 16 : i32
        %add3A_191 = arith.addi %mul3A_182, %add3A_190 : i32
        %get3A_192 = arith.index_cast %add3A_191 : i32 to index
        %get3A_193 = tpu.vector_load %arg8[%get3A_192] {strides = array<i32>} : memref<1280xi32, #tpu.memory_space<vmem>>, vector<16xi32>,
        %add3A_194 = arith.constant 16 : i32
        %add3A_195 = arith.addi %mul3A_182, %add3A_194 : i32
        %add3A_196 = vector.broadcast %add3A_195 : i32 to vector<16xi32>
        %add3A_197 = arith.addi %add3A_196, %iota3A_120 : vector<16xi32>
        tpu.vector_store_idx %arg4[%get3A_193, %add3A_197], %broadcast_in_dim3A_3 : memref<25x1280xf32, #tpu.memory_space<vmem>>[vector<16xi32>, vector<16xi32>], vector<16xf32>,
        %add3A_198 = arith.constant 32 : i32
        %add3A_199 = arith.addi %mul3A_182, %add3A_198 : i32
        %get3A_200 = arith.index_cast %add3A_199 : i32 to index
        %get3A_201 = tpu.vector_load %arg8[%get3A_200] {strides = array<i32>} : memref<1280xi32, #tpu.memory_space<vmem>>, vector<16xi32>,
        %add3A_202 = arith.constant 32 : i32
        %add3A_203 = arith.addi %mul3A_182, %add3A_202 : i32
        %add3A_204 = vector.broadcast %add3A_203 : i32 to vector<16xi32>
        %add3A_205 = arith.addi %add3A_204, %iota3A_120 : vector<16xi32>
        tpu.vector_store_idx %arg4[%get3A_201, %add3A_205], %broadcast_in_dim3A_3 : memref<25x1280xf32, #tpu.memory_space<vmem>>[vector<16xi32>, vector<16xi32>], vector<16xf32>,
        %add3A_206 = arith.constant 48 : i32
        %add3A_207 = arith.addi %mul3A_182, %add3A_206 : i32
        %get3A_208 = arith.index_cast %add3A_207 : i32 to index
        %get3A_209 = tpu.vector_load %arg8[%get3A_208] {strides = array<i32>} : memref<1280xi32, #tpu.memory_space<vmem>>, vector<16xi32>,
        %add3A_210 = arith.constant 48 : i32
        %add3A_211 = arith.addi %mul3A_182, %add3A_210 : i32
        %add3A_212 = vector.broadcast %add3A_211 : i32 to vector<16xi32>
        %add3A_213 = arith.addi %add3A_212, %iota3A_120 : vector<16xi32>
        tpu.vector_store_idx %arg4[%get3A_209, %add3A_213], %broadcast_in_dim3A_3 : memref<25x1280xf32, #tpu.memory_space<vmem>>[vector<16xi32>, vector<16xi32>], vector<16xf32>,
        %add3A_214 = arith.constant 64 : i32
        %add3A_215 = arith.addi %mul3A_182, %add3A_214 : i32
        %get3A_216 = arith.index_cast %add3A_215 : i32 to index
        %get3A_217 = tpu.vector_load %arg8[%get3A_216] {strides = array<i32>} : memref<1280xi32, #tpu.memory_space<vmem>>, vector<16xi32>,
        %add3A_218 = arith.constant 64 : i32
        %add3A_219 = arith.addi %mul3A_182, %add3A_218 : i32
        %add3A_220 = vector.broadcast %add3A_219 : i32 to vector<16xi32>
        %add3A_221 = arith.addi %add3A_220, %iota3A_120 : vector<16xi32>
        tpu.vector_store_idx %arg4[%get3A_217, %add3A_221], %broadcast_in_dim3A_3 : memref<25x1280xf32, #tpu.memory_space<vmem>>[vector<16xi32>, vector<16xi32>], vector<16xf32>,
        %add3A_222 = arith.constant 80 : i32
        %add3A_223 = arith.addi %mul3A_182, %add3A_222 : i32
        %get3A_224 = arith.index_cast %add3A_223 : i32 to index
        %get3A_225 = tpu.vector_load %arg8[%get3A_224] {strides = array<i32>} : memref<1280xi32, #tpu.memory_space<vmem>>, vector<16xi32>,
        %add3A_226 = arith.constant 80 : i32
        %add3A_227 = arith.addi %mul3A_182, %add3A_226 : i32
        %add3A_228 = vector.broadcast %add3A_227 : i32 to vector<16xi32>
        %add3A_229 = arith.addi %add3A_228, %iota3A_120 : vector<16xi32>
        tpu.vector_store_idx %arg4[%get3A_225, %add3A_229], %broadcast_in_dim3A_3 : memref<25x1280xf32, #tpu.memory_space<vmem>>[vector<16xi32>, vector<16xi32>], vector<16xf32>,
        %add3A_230 = arith.constant 96 : i32
        %add3A_231 = arith.addi %mul3A_182, %add3A_230 : i32
        %get3A_232 = arith.index_cast %add3A_231 : i32 to index
        %get3A_233 = tpu.vector_load %arg8[%get3A_232] {strides = array<i32>} : memref<1280xi32, #tpu.memory_space<vmem>>, vector<16xi32>,
        %add3A_234 = arith.constant 96 : i32
        %add3A_235 = arith.addi %mul3A_182, %add3A_234 : i32
        %add3A_236 = vector.broadcast %add3A_235 : i32 to vector<16xi32>
        %add3A_237 = arith.addi %add3A_236, %iota3A_120 : vector<16xi32>
        tpu.vector_store_idx %arg4[%get3A_233, %add3A_237], %broadcast_in_dim3A_3 : memref<25x1280xf32, #tpu.memory_space<vmem>>[vector<16xi32>, vector<16xi32>], vector<16xf32>,
        %add3A_238 = arith.constant 112 : i32
        %add3A_239 = arith.addi %mul3A_182, %add3A_238 : i32
        %get3A_240 = arith.index_cast %add3A_239 : i32 to index
        %get3A_241 = tpu.vector_load %arg8[%get3A_240] {strides = array<i32>} : memref<1280xi32, #tpu.memory_space<vmem>>, vector<16xi32>,
        %add3A_242 = arith.constant 112 : i32
        %add3A_243 = arith.addi %mul3A_182, %add3A_242 : i32
        %add3A_244 = vector.broadcast %add3A_243 : i32 to vector<16xi32>
        %add3A_245 = arith.addi %add3A_244, %iota3A_120 : vector<16xi32>
        tpu.vector_store_idx %arg4[%get3A_241, %add3A_245], %broadcast_in_dim3A_3 : memref<25x1280xf32, #tpu.memory_space<vmem>>[vector<16xi32>, vector<16xi32>], vector<16xf32>,
        %scan3A_246 = arith.constant 0 : i32
        scf.yield %scan3A_246 : i32
      }
      %scan3A_127 = arith.constant 10 : i32
      %mul3A_128 = arith.constant 1280 : i32
      %mul3A_129 = arith.muli %add3A_109, %mul3A_128 : i32
      %add3A_130 = arith.addi %mul3A_2, %mul3A_129 : i32
      %dma_start3A_131 = arith.constant 0 : i32
      %dma_start3A_132 = tpu.memref_slice %arg3[%dma_start3A_131, %add3A_130] : memref<25x1638400xf32, #tpu.memory_space<hbm>> -> memref<25x1280xf32, #tpu.memory_space<hbm>>
      %dma_start3A_133 = arith.constant 0 : i32
      %dma_start3A_134 = tpu.memref_slice %arg3[%dma_start3A_133, %add3A_130] : memref<25x1638400xf32, #tpu.memory_space<hbm>> -> memref<25x1280xf32, #tpu.memory_space<hbm>>
      tpu.enqueue_dma source(%arg4 : memref<25x1280xf32, #tpu.memory_space<vmem>>) target(%dma_start3A_134 : memref<25x1280xf32, #tpu.memory_space<hbm>>) target_semaphore(%arg10 : memref<!tpu.dma_semaphore, #tpu.memory_space<semaphore_mem>>)
      %add3A_135 = arith.constant 2 : i32
      %add3A_136 = arith.addi %add3A_109, %add3A_135 : i32
      %lt3A_137 = arith.constant 40 : i32
      %lt3A_138 = arith.cmpi slt, %add3A_136, %lt3A_137 : i32
      %convert_element_type3A_139 = arith.extui %lt3A_138 : i1 to i32
      %cond3A_140 = arith.constant 0 : i32
      %cond3A_141 = arith.cmpi ne, %convert_element_type3A_139, %cond3A_140 : i32
      scf.if %cond3A_141 {
        %add3A_179 = arith.constant 2 : i32
        %add3A_180 = arith.addi %add3A_109, %add3A_179 : i32
        %mul3A_181 = arith.constant 1280 : i32
        %mul3A_182 = arith.muli %add3A_180, %mul3A_181 : i32
        %add3A_183 = arith.addi %mul3A_2, %mul3A_182 : i32
        %dma_start3A_184 = tpu.memref_slice %arg2[%add3A_183] : memref<1638400xi32, #tpu.memory_space<hbm>> -> memref<1280xi32, #tpu.memory_space<hbm>>
        %dma_start3A_185 = tpu.memref_slice %arg2[%add3A_183] : memref<1638400xi32, #tpu.memory_space<hbm>> -> memref<1280xi32, #tpu.memory_space<hbm>>
        tpu.enqueue_dma source(%dma_start3A_185 : memref<1280xi32, #tpu.memory_space<hbm>>) target(%arg6 : memref<1280xi32, #tpu.memory_space<vmem>>) target_semaphore(%arg12 : memref<!tpu.dma_semaphore, #tpu.memory_space<semaphore_mem>>)
      } else {
      }
      %mul3A_142 = arith.constant 4 : i32
      %mul3A_143 = arith.muli %scan3A_37, %mul3A_142 : i32
      %add3A_144 = arith.constant 3 : i32
      %add3A_145 = arith.addi %mul3A_143, %add3A_144 : i32
      %mul3A_146 = arith.constant 1280 : i32
      %mul3A_147 = arith.muli %add3A_145, %mul3A_146 : i32
      %add3A_148 = arith.addi %mul3A_2, %mul3A_147 : i32
      %dma_wait3A_149 = tpu.memref_slice %arg2[%add3A_148] : memref<1638400xi32, #tpu.memory_space<hbm>> -> memref<1280xi32, #tpu.memory_space<hbm>>
      %dma_wait3A_150 = tpu.memref_slice %arg2[%add3A_148] : memref<1638400xi32, #tpu.memory_space<hbm>> -> memref<1280xi32, #tpu.memory_space<hbm>>
      tpu.wait_dma2 semaphore(%arg15 : memref<!tpu.dma_semaphore, #tpu.memory_space<semaphore_mem>>) src(%dma_wait3A_150 : memref<1280xi32, #tpu.memory_space<hbm>>) dst(%arg9 : memref<1280xi32, #tpu.memory_space<vmem>>)
      %ge3A_151 = arith.constant 2 : i32
      %ge3A_152 = arith.cmpi sge, %add3A_145, %ge3A_151 : i32
      %convert_element_type3A_153 = arith.extui %ge3A_152 : i1 to i32
      %cond3A_154 = arith.constant 0 : i32
      %cond3A_155 = arith.cmpi ne, %convert_element_type3A_153, %cond3A_154 : i32
      scf.if %cond3A_155 {
        %sub3A = arith.constant 2 : i32
        %sub3A_179 = arith.subi %add3A_145, %sub3A : i32
        %mul3A_180 = arith.constant 1280 : i32
        %mul3A_181 = arith.muli %sub3A_179, %mul3A_180 : i32
        %add3A_182 = arith.addi %mul3A_2, %mul3A_181 : i32
        %dma_wait3A_183 = arith.constant 0 : i32
        %dma_wait3A_184 = tpu.memref_slice %arg3[%dma_wait3A_183, %add3A_182] : memref<25x1638400xf32, #tpu.memory_space<hbm>> -> memref<25x1280xf32, #tpu.memory_space<hbm>>
        %dma_wait3A_185 = arith.constant 0 : i32
        %dma_wait3A_186 = tpu.memref_slice %arg3[%dma_wait3A_185, %add3A_182] : memref<25x1638400xf32, #tpu.memory_space<hbm>> -> memref<25x1280xf32, #tpu.memory_space<hbm>>
        tpu.wait_dma2 semaphore(%arg11 : memref<!tpu.dma_semaphore, #tpu.memory_space<semaphore_mem>>) src(%arg5 : memref<25x1280xf32, #tpu.memory_space<vmem>>) dst(%dma_wait3A_186 : memref<25x1280xf32, #tpu.memory_space<hbm>>)
        %iota3A_187 = tpu.iota {dimensions = array<i32: 0>} : vector<16xi32>
        %scan3A_188 = arith.constant 0 : i32
        %scan3A_189 = arith.constant 0 : i32
        %scan3A_190 = arith.constant 10 : i32
        %scan3A_191 = arith.addi %scan3A_189, %scan3A_190 : i32
        %scan3A_192 = arith.constant 1 : i32
        %scan3A_193 = scf.for %scan3A_195 = %scan3A_189 to %scan3A_191 step %scan3A_192 iter_args(%scan3A_196 = %scan3A_188) -> (i32)  : i32 {
          %mul3A_197 = arith.constant 128 : i32
          %mul3A_198 = arith.muli %scan3A_195, %mul3A_197 : i32
          %add3A_199 = arith.constant 0 : i32
          %add3A_200 = arith.addi %mul3A_198, %add3A_199 : i32
          %get3A = arith.index_cast %add3A_200 : i32 to index
          %get3A_201 = tpu.vector_load %arg7[%get3A] {strides = array<i32>} : memref<1280xi32, #tpu.memory_space<vmem>>, vector<16xi32>,
          %add3A_202 = arith.constant 0 : i32
          %add3A_203 = arith.addi %mul3A_198, %add3A_202 : i32
          %add3A_204 = vector.broadcast %add3A_203 : i32 to vector<16xi32>
          %add3A_205 = arith.addi %add3A_204, %iota3A_187 : vector<16xi32>
          tpu.vector_store_idx %arg5[%get3A_201, %add3A_205], %broadcast_in_dim3A_5 : memref<25x1280xf32, #tpu.memory_space<vmem>>[vector<16xi32>, vector<16xi32>], vector<16xf32>,
          %add3A_206 = arith.constant 16 : i32
          %add3A_207 = arith.addi %mul3A_198, %add3A_206 : i32
          %get3A_208 = arith.index_cast %add3A_207 : i32 to index
          %get3A_209 = tpu.vector_load %arg7[%get3A_208] {strides = array<i32>} : memref<1280xi32, #tpu.memory_space<vmem>>, vector<16xi32>,
          %add3A_210 = arith.constant 16 : i32
          %add3A_211 = arith.addi %mul3A_198, %add3A_210 : i32
          %add3A_212 = vector.broadcast %add3A_211 : i32 to vector<16xi32>
          %add3A_213 = arith.addi %add3A_212, %iota3A_187 : vector<16xi32>
          tpu.vector_store_idx %arg5[%get3A_209, %add3A_213], %broadcast_in_dim3A_5 : memref<25x1280xf32, #tpu.memory_space<vmem>>[vector<16xi32>, vector<16xi32>], vector<16xf32>,
          %add3A_214 = arith.constant 32 : i32
          %add3A_215 = arith.addi %mul3A_198, %add3A_214 : i32
          %get3A_216 = arith.index_cast %add3A_215 : i32 to index
          %get3A_217 = tpu.vector_load %arg7[%get3A_216] {strides = array<i32>} : memref<1280xi32, #tpu.memory_space<vmem>>, vector<16xi32>,
          %add3A_218 = arith.constant 32 : i32
          %add3A_219 = arith.addi %mul3A_198, %add3A_218 : i32
          %add3A_220 = vector.broadcast %add3A_219 : i32 to vector<16xi32>
          %add3A_221 = arith.addi %add3A_220, %iota3A_187 : vector<16xi32>
          tpu.vector_store_idx %arg5[%get3A_217, %add3A_221], %broadcast_in_dim3A_5 : memref<25x1280xf32, #tpu.memory_space<vmem>>[vector<16xi32>, vector<16xi32>], vector<16xf32>,
          %add3A_222 = arith.constant 48 : i32
          %add3A_223 = arith.addi %mul3A_198, %add3A_222 : i32
          %get3A_224 = arith.index_cast %add3A_223 : i32 to index
          %get3A_225 = tpu.vector_load %arg7[%get3A_224] {strides = array<i32>} : memref<1280xi32, #tpu.memory_space<vmem>>, vector<16xi32>,
          %add3A_226 = arith.constant 48 : i32
          %add3A_227 = arith.addi %mul3A_198, %add3A_226 : i32
          %add3A_228 = vector.broadcast %add3A_227 : i32 to vector<16xi32>
          %add3A_229 = arith.addi %add3A_228, %iota3A_187 : vector<16xi32>
          tpu.vector_store_idx %arg5[%get3A_225, %add3A_229], %broadcast_in_dim3A_5 : memref<25x1280xf32, #tpu.memory_space<vmem>>[vector<16xi32>, vector<16xi32>], vector<16xf32>,
          %add3A_230 = arith.constant 64 : i32
          %add3A_231 = arith.addi %mul3A_198, %add3A_230 : i32
          %get3A_232 = arith.index_cast %add3A_231 : i32 to index
          %get3A_233 = tpu.vector_load %arg7[%get3A_232] {strides = array<i32>} : memref<1280xi32, #tpu.memory_space<vmem>>, vector<16xi32>,
          %add3A_234 = arith.constant 64 : i32
          %add3A_235 = arith.addi %mul3A_198, %add3A_234 : i32
          %add3A_236 = vector.broadcast %add3A_235 : i32 to vector<16xi32>
          %add3A_237 = arith.addi %add3A_236, %iota3A_187 : vector<16xi32>
          tpu.vector_store_idx %arg5[%get3A_233, %add3A_237], %broadcast_in_dim3A_5 : memref<25x1280xf32, #tpu.memory_space<vmem>>[vector<16xi32>, vector<16xi32>], vector<16xf32>,
          %add3A_238 = arith.constant 80 : i32
          %add3A_239 = arith.addi %mul3A_198, %add3A_238 : i32
          %get3A_240 = arith.index_cast %add3A_239 : i32 to index
          %get3A_241 = tpu.vector_load %arg7[%get3A_240] {strides = array<i32>} : memref<1280xi32, #tpu.memory_space<vmem>>, vector<16xi32>,
          %add3A_242 = arith.constant 80 : i32
          %add3A_243 = arith.addi %mul3A_198, %add3A_242 : i32
          %add3A_244 = vector.broadcast %add3A_243 : i32 to vector<16xi32>
          %add3A_245 = arith.addi %add3A_244, %iota3A_187 : vector<16xi32>
          tpu.vector_store_idx %arg5[%get3A_241, %add3A_245], %broadcast_in_dim3A_5 : memref<25x1280xf32, #tpu.memory_space<vmem>>[vector<16xi32>, vector<16xi32>], vector<16xf32>,
          %add3A_246 = arith.constant 96 : i32
          %add3A_247 = arith.addi %mul3A_198, %add3A_246 : i32
          %get3A_248 = arith.index_cast %add3A_247 : i32 to index
          %get3A_249 = tpu.vector_load %arg7[%get3A_248] {strides = array<i32>} : memref<1280xi32, #tpu.memory_space<vmem>>, vector<16xi32>,
          %add3A_250 = arith.constant 96 : i32
          %add3A_251 = arith.addi %mul3A_198, %add3A_250 : i32
          %add3A_252 = vector.broadcast %add3A_251 : i32 to vector<16xi32>
          %add3A_253 = arith.addi %add3A_252, %iota3A_187 : vector<16xi32>
          tpu.vector_store_idx %arg5[%get3A_249, %add3A_253], %broadcast_in_dim3A_5 : memref<25x1280xf32, #tpu.memory_space<vmem>>[vector<16xi32>, vector<16xi32>], vector<16xf32>,
          %add3A_254 = arith.constant 112 : i32
          %add3A_255 = arith.addi %mul3A_198, %add3A_254 : i32
          %get3A_256 = arith.index_cast %add3A_255 : i32 to index
          %get3A_257 = tpu.vector_load %arg7[%get3A_256] {strides = array<i32>} : memref<1280xi32, #tpu.memory_space<vmem>>, vector<16xi32>,
          %add3A_258 = arith.constant 112 : i32
          %add3A_259 = arith.addi %mul3A_198, %add3A_258 : i32
          %add3A_260 = vector.broadcast %add3A_259 : i32 to vector<16xi32>
          %add3A_261 = arith.addi %add3A_260, %iota3A_187 : vector<16xi32>
          tpu.vector_store_idx %arg5[%get3A_257, %add3A_261], %broadcast_in_dim3A_5 : memref<25x1280xf32, #tpu.memory_space<vmem>>[vector<16xi32>, vector<16xi32>], vector<16xf32>,
          %scan3A_262 = arith.constant 0 : i32
          scf.yield %scan3A_262 : i32
        }
        %scan3A_194 = arith.constant 10 : i32
      } else {
      }
      %iota3A_156 = tpu.iota {dimensions = array<i32: 0>} : vector<16xi32>
      %scan3A_157 = arith.constant 0 : i32
      %scan3A_158 = arith.constant 0 : i32
      %scan3A_159 = arith.constant 10 : i32
      %scan3A_160 = arith.addi %scan3A_158, %scan3A_159 : i32
      %scan3A_161 = arith.constant 1 : i32
      %scan3A_162 = scf.for %scan3A_179 = %scan3A_158 to %scan3A_160 step %scan3A_161 iter_args(%scan3A_180 = %scan3A_157) -> (i32)  : i32 {
        %mul3A_181 = arith.constant 128 : i32
        %mul3A_182 = arith.muli %scan3A_179, %mul3A_181 : i32
        %add3A_183 = arith.constant 0 : i32
        %add3A_184 = arith.addi %mul3A_182, %add3A_183 : i32
        %get3A = arith.index_cast %add3A_184 : i32 to index
        %get3A_185 = tpu.vector_load %arg9[%get3A] {strides = array<i32>} : memref<1280xi32, #tpu.memory_space<vmem>>, vector<16xi32>,
        %add3A_186 = arith.constant 0 : i32
        %add3A_187 = arith.addi %mul3A_182, %add3A_186 : i32
        %add3A_188 = vector.broadcast %add3A_187 : i32 to vector<16xi32>
        %add3A_189 = arith.addi %add3A_188, %iota3A_156 : vector<16xi32>
        tpu.vector_store_idx %arg5[%get3A_185, %add3A_189], %broadcast_in_dim3A_3 : memref<25x1280xf32, #tpu.memory_space<vmem>>[vector<16xi32>, vector<16xi32>], vector<16xf32>,
        %add3A_190 = arith.constant 16 : i32
        %add3A_191 = arith.addi %mul3A_182, %add3A_190 : i32
        %get3A_192 = arith.index_cast %add3A_191 : i32 to index
        %get3A_193 = tpu.vector_load %arg9[%get3A_192] {strides = array<i32>} : memref<1280xi32, #tpu.memory_space<vmem>>, vector<16xi32>,
        %add3A_194 = arith.constant 16 : i32
        %add3A_195 = arith.addi %mul3A_182, %add3A_194 : i32
        %add3A_196 = vector.broadcast %add3A_195 : i32 to vector<16xi32>
        %add3A_197 = arith.addi %add3A_196, %iota3A_156 : vector<16xi32>
        tpu.vector_store_idx %arg5[%get3A_193, %add3A_197], %broadcast_in_dim3A_3 : memref<25x1280xf32, #tpu.memory_space<vmem>>[vector<16xi32>, vector<16xi32>], vector<16xf32>,
        %add3A_198 = arith.constant 32 : i32
        %add3A_199 = arith.addi %mul3A_182, %add3A_198 : i32
        %get3A_200 = arith.index_cast %add3A_199 : i32 to index
        %get3A_201 = tpu.vector_load %arg9[%get3A_200] {strides = array<i32>} : memref<1280xi32, #tpu.memory_space<vmem>>, vector<16xi32>,
        %add3A_202 = arith.constant 32 : i32
        %add3A_203 = arith.addi %mul3A_182, %add3A_202 : i32
        %add3A_204 = vector.broadcast %add3A_203 : i32 to vector<16xi32>
        %add3A_205 = arith.addi %add3A_204, %iota3A_156 : vector<16xi32>
        tpu.vector_store_idx %arg5[%get3A_201, %add3A_205], %broadcast_in_dim3A_3 : memref<25x1280xf32, #tpu.memory_space<vmem>>[vector<16xi32>, vector<16xi32>], vector<16xf32>,
        %add3A_206 = arith.constant 48 : i32
        %add3A_207 = arith.addi %mul3A_182, %add3A_206 : i32
        %get3A_208 = arith.index_cast %add3A_207 : i32 to index
        %get3A_209 = tpu.vector_load %arg9[%get3A_208] {strides = array<i32>} : memref<1280xi32, #tpu.memory_space<vmem>>, vector<16xi32>,
        %add3A_210 = arith.constant 48 : i32
        %add3A_211 = arith.addi %mul3A_182, %add3A_210 : i32
        %add3A_212 = vector.broadcast %add3A_211 : i32 to vector<16xi32>
        %add3A_213 = arith.addi %add3A_212, %iota3A_156 : vector<16xi32>
        tpu.vector_store_idx %arg5[%get3A_209, %add3A_213], %broadcast_in_dim3A_3 : memref<25x1280xf32, #tpu.memory_space<vmem>>[vector<16xi32>, vector<16xi32>], vector<16xf32>,
        %add3A_214 = arith.constant 64 : i32
        %add3A_215 = arith.addi %mul3A_182, %add3A_214 : i32
        %get3A_216 = arith.index_cast %add3A_215 : i32 to index
        %get3A_217 = tpu.vector_load %arg9[%get3A_216] {strides = array<i32>} : memref<1280xi32, #tpu.memory_space<vmem>>, vector<16xi32>,
        %add3A_218 = arith.constant 64 : i32
        %add3A_219 = arith.addi %mul3A_182, %add3A_218 : i32
        %add3A_220 = vector.broadcast %add3A_219 : i32 to vector<16xi32>
        %add3A_221 = arith.addi %add3A_220, %iota3A_156 : vector<16xi32>
        tpu.vector_store_idx %arg5[%get3A_217, %add3A_221], %broadcast_in_dim3A_3 : memref<25x1280xf32, #tpu.memory_space<vmem>>[vector<16xi32>, vector<16xi32>], vector<16xf32>,
        %add3A_222 = arith.constant 80 : i32
        %add3A_223 = arith.addi %mul3A_182, %add3A_222 : i32
        %get3A_224 = arith.index_cast %add3A_223 : i32 to index
        %get3A_225 = tpu.vector_load %arg9[%get3A_224] {strides = array<i32>} : memref<1280xi32, #tpu.memory_space<vmem>>, vector<16xi32>,
        %add3A_226 = arith.constant 80 : i32
        %add3A_227 = arith.addi %mul3A_182, %add3A_226 : i32
        %add3A_228 = vector.broadcast %add3A_227 : i32 to vector<16xi32>
        %add3A_229 = arith.addi %add3A_228, %iota3A_156 : vector<16xi32>
        tpu.vector_store_idx %arg5[%get3A_225, %add3A_229], %broadcast_in_dim3A_3 : memref<25x1280xf32, #tpu.memory_space<vmem>>[vector<16xi32>, vector<16xi32>], vector<16xf32>,
        %add3A_230 = arith.constant 96 : i32
        %add3A_231 = arith.addi %mul3A_182, %add3A_230 : i32
        %get3A_232 = arith.index_cast %add3A_231 : i32 to index
        %get3A_233 = tpu.vector_load %arg9[%get3A_232] {strides = array<i32>} : memref<1280xi32, #tpu.memory_space<vmem>>, vector<16xi32>,
        %add3A_234 = arith.constant 96 : i32
        %add3A_235 = arith.addi %mul3A_182, %add3A_234 : i32
        %add3A_236 = vector.broadcast %add3A_235 : i32 to vector<16xi32>
        %add3A_237 = arith.addi %add3A_236, %iota3A_156 : vector<16xi32>
        tpu.vector_store_idx %arg5[%get3A_233, %add3A_237], %broadcast_in_dim3A_3 : memref<25x1280xf32, #tpu.memory_space<vmem>>[vector<16xi32>, vector<16xi32>], vector<16xf32>,
        %add3A_238 = arith.constant 112 : i32
        %add3A_239 = arith.addi %mul3A_182, %add3A_238 : i32
        %get3A_240 = arith.index_cast %add3A_239 : i32 to index
        %get3A_241 = tpu.vector_load %arg9[%get3A_240] {strides = array<i32>} : memref<1280xi32, #tpu.memory_space<vmem>>, vector<16xi32>,
        %add3A_242 = arith.constant 112 : i32
        %add3A_243 = arith.addi %mul3A_182, %add3A_242 : i32
        %add3A_244 = vector.broadcast %add3A_243 : i32 to vector<16xi32>
        %add3A_245 = arith.addi %add3A_244, %iota3A_156 : vector<16xi32>
        tpu.vector_store_idx %arg5[%get3A_241, %add3A_245], %broadcast_in_dim3A_3 : memref<25x1280xf32, #tpu.memory_space<vmem>>[vector<16xi32>, vector<16xi32>], vector<16xf32>,
        %scan3A_246 = arith.constant 0 : i32
        scf.yield %scan3A_246 : i32
      }
      %scan3A_163 = arith.constant 10 : i32
      %mul3A_164 = arith.constant 1280 : i32
      %mul3A_165 = arith.muli %add3A_145, %mul3A_164 : i32
      %add3A_166 = arith.addi %mul3A_2, %mul3A_165 : i32
      %dma_start3A_167 = arith.constant 0 : i32
      %dma_start3A_168 = tpu.memref_slice %arg3[%dma_start3A_167, %add3A_166] : memref<25x1638400xf32, #tpu.memory_space<hbm>> -> memref<25x1280xf32, #tpu.memory_space<hbm>>
      %dma_start3A_169 = arith.constant 0 : i32
      %dma_start3A_170 = tpu.memref_slice %arg3[%dma_start3A_169, %add3A_166] : memref<25x1638400xf32, #tpu.memory_space<hbm>> -> memref<25x1280xf32, #tpu.memory_space<hbm>>
      tpu.enqueue_dma source(%arg5 : memref<25x1280xf32, #tpu.memory_space<vmem>>) target(%dma_start3A_170 : memref<25x1280xf32, #tpu.memory_space<hbm>>) target_semaphore(%arg11 : memref<!tpu.dma_semaphore, #tpu.memory_space<semaphore_mem>>)
      %add3A_171 = arith.constant 2 : i32
      %add3A_172 = arith.addi %add3A_145, %add3A_171 : i32
      %lt3A_173 = arith.constant 40 : i32
      %lt3A_174 = arith.cmpi slt, %add3A_172, %lt3A_173 : i32
      %convert_element_type3A_175 = arith.extui %lt3A_174 : i1 to i32
      %cond3A_176 = arith.constant 0 : i32
      %cond3A_177 = arith.cmpi ne, %convert_element_type3A_175, %cond3A_176 : i32
      scf.if %cond3A_177 {
        %add3A_179 = arith.constant 2 : i32
        %add3A_180 = arith.addi %add3A_145, %add3A_179 : i32
        %mul3A_181 = arith.constant 1280 : i32
        %mul3A_182 = arith.muli %add3A_180, %mul3A_181 : i32
        %add3A_183 = arith.addi %mul3A_2, %mul3A_182 : i32
        %dma_start3A_184 = tpu.memref_slice %arg2[%add3A_183] : memref<1638400xi32, #tpu.memory_space<hbm>> -> memref<1280xi32, #tpu.memory_space<hbm>>
        %dma_start3A_185 = tpu.memref_slice %arg2[%add3A_183] : memref<1638400xi32, #tpu.memory_space<hbm>> -> memref<1280xi32, #tpu.memory_space<hbm>>
        tpu.enqueue_dma source(%dma_start3A_185 : memref<1280xi32, #tpu.memory_space<hbm>>) target(%arg7 : memref<1280xi32, #tpu.memory_space<vmem>>) target_semaphore(%arg13 : memref<!tpu.dma_semaphore, #tpu.memory_space<semaphore_mem>>)
      } else {
      }
      %scan3A_178 = arith.constant 0 : i32
      scf.yield %scan3A_178 : i32
    }
    %scan3A_25 = arith.constant 10 : i32
    %add3A_26 = arith.constant 48640 : i32
    %add3A_27 = arith.addi %mul3A_2, %add3A_26 : i32
    %dma_wait3A = arith.constant 0 : i32
    %dma_wait3A_28 = tpu.memref_slice %arg3[%dma_wait3A, %add3A_27] : memref<25x1638400xf32, #tpu.memory_space<hbm>> -> memref<25x1280xf32, #tpu.memory_space<hbm>>
    %dma_wait3A_29 = arith.constant 0 : i32
    %dma_wait3A_30 = tpu.memref_slice %arg3[%dma_wait3A_29, %add3A_27] : memref<25x1638400xf32, #tpu.memory_space<hbm>> -> memref<25x1280xf32, #tpu.memory_space<hbm>>
    tpu.wait_dma2 semaphore(%arg10 : memref<!tpu.dma_semaphore, #tpu.memory_space<semaphore_mem>>) src(%arg4 : memref<25x1280xf32, #tpu.memory_space<vmem>>) dst(%dma_wait3A_30 : memref<25x1280xf32, #tpu.memory_space<hbm>>)
    %add3A_31 = arith.constant 49920 : i32
    %add3A_32 = arith.addi %mul3A_2, %add3A_31 : i32
    %dma_wait3A_33 = arith.constant 0 : i32
    %dma_wait3A_34 = tpu.memref_slice %arg3[%dma_wait3A_33, %add3A_32] : memref<25x1638400xf32, #tpu.memory_space<hbm>> -> memref<25x1280xf32, #tpu.memory_space<hbm>>
    %dma_wait3A_35 = arith.constant 0 : i32
    %dma_wait3A_36 = tpu.memref_slice %arg3[%dma_wait3A_35, %add3A_32] : memref<25x1638400xf32, #tpu.memory_space<hbm>> -> memref<25x1280xf32, #tpu.memory_space<hbm>>
    tpu.wait_dma2 semaphore(%arg11 : memref<!tpu.dma_semaphore, #tpu.memory_space<semaphore_mem>>) src(%arg5 : memref<25x1280xf32, #tpu.memory_space<vmem>>) dst(%dma_wait3A_36 : memref<25x1280xf32, #tpu.memory_space<hbm>>)
    return
  }
}

</mosaic_0001>

<sc_bundles>
// kernel: _run.3.cloned.1.call-start
scs
__scs_entry_jumppad:
0x0: {  	(pc) =	sbr.rel $0x88, $3  }
0x1: {  	(tag) =	ssettag $0x0;
	lr =	simm.s32 $0x1  }
0x2: {  	[smem:$0x3FA0] =	sst lr;
	_ =	strace $0xD0000000  }
0x3: {  	_ = 	snop  }
0x4: {  	_ = 	snop  }
0x5: {  	_ = 	snop  }
0x6: {  	_ = 	snop  }
0x7: {  	_ = 	snop  }
__scs_overlays_trampoline_lowered:
0x8: {  	[smem:$0x3FAF] =	sst s0  }
0x9: {  	[smem:$0x3FB0] =	sst s1  }
0xa: {  	[smem:$0x3FB1] =	sst s2  }
0xb: {  	[smem:$0x3FB2] =	sst s3  }
0xc: {  	[smem:$0x3FB3] =	sst s4  }
0xd: {  	[smem:$0x3FB4] =	sst s5  }
0xe: {  	[smem:$0x3FB5] =	sst s6  }
0xf: {  	[smem:$0x3FB6] =	sst s7  }
0x10: {  	[smem:$0x3FB7] =	sst s8  }
0x11: {  	[smem:$0x3FB8] =	sst s9;
	s0 =	simm.s32 @!p0 $0x0  }
0x12: {  	s1 =	sld [smem:$0x3F9E];
	s0 =	simm.s32 @p0 $0x1  }
0x13: {  	[smem:$0x3FB9] =	sst s0;
	s0 =	simm.s32 @!p1 $0x0  }
0x14: {  	s2 =	sld [smem:$0x3F9D];
	s0 =	simm.s32 @p1 $0x1  }
0x15: {  	[smem:$0x3FBA] =	sst s0;
	s0 =	simm.s32 @!p2 $0x0  }
0x16: {  	s3 =	sld [smem:$0x3FDB];
	s0 =	simm.s32 @p2 $0x1  }
0x17: {  	s4 =	simm.s32 $0x1BF5;
	[smem:$0x3FBC] =	sst s0  }
0x18: {  	s0 =	sld [smem:$0x3F9F];
	_ =	swait.ge [sflag:s4], $0x0  }
0x19: {  	s7 =	sld [smem:$0x3FA0]  }
0x1a: {  	s8 =	sadd.s32 $0xFFFFE003, lr  }
0x1b: {  	s9 =	sadd.s32 $0xFFFFFEF7, lr;
	s5 =	simm.s32 $0xFFFFFFFF;
	p2 =	slt.u32 s8, $0xFFFFF086  }
0x1c: {  	p1 =	slt.u32 s9, $0xF7A;
	s5 =	simm.s32 @!p2 $0x0  }
0x1d: {  	s5 =	simm.s32 @p1 $0x1;
	p0 =	seq.s32 s7, s2  }
0x1e: {  	s7 =	smul.u32 @!p0 $0xF7A, s2;
	p2 =	seq.s32 @!p0 s5, $0x0  }
0x1f: {  	s9 =	smul.u32 $0xF7A, s1;
	s8 =	simm.s32 @!p0 $0x1BF5;
	p2 =	por !p2, p0  }
0x20: {  	[sflag:s8] =	ssyncset.s32 @!p0 $0xFFFFF086;
	s6 =	sadd.s32 @!p0 s3, s7;
	s7 =	simm.s32 @!p0 $0x108  }
0x21: {  	s3 =	sadd.s32 s3, s9;
	s6 =	sadd.s32 @!p0 $0x88, s6;
	s7 =	simm.s32 @p2 $0x1082  }
0x22: {  	[simem:s7], [sflag:s8] =	dma.local @!p0 [hbm:s6], $0xF7A  }
0x23: {  	s9 =	sor.u32 $0xD0000000, s2;
	s6 =	simm.s32 $0x108;
	_ =	swait.ge @!p0 [sflag:s8], $0x0  }
0x24: {  	s3 =	sadd.s32 $0x88, s3;
	s6 =	simm.s32 @!p1 $0x1082;
	[sflag:s4] =	ssyncset.s32 $0xFFFFF086  }
0x25: {  	[simem:s6], [sflag:s4] =	dma.local [hbm:s3], $0xF7A  }
0x26: {  	[smem:$0x3FA0] =	sst s1;
	(tag) =	ssettag s2;
	_ =	strace s9  }
0x27: {  	s1 =	sld [smem:$0x3FB0]  }
0x28: {  	s2 =	sld [smem:$0x3FB1]  }
0x29: {  	s4 =	sld [smem:$0x3FB3]  }
0x2a: {  	p0 =	seq.s32 s5, $0x0;
	s5 =	sld [smem:$0x3FB4]  }
0x2b: {  	s6 =	sld [smem:$0x3FB5]  }
0x2c: {  	s7 =	sld [smem:$0x3FB6]  }
0x2d: {  	s3 =	simm.s32 $0x108;
	s8 =	sld [smem:$0x3FB7]  }
0x2e: {  	s3 =	simm.s32 @!p0 $0x1082;
	s9 =	sld [smem:$0x3FB8]  }
0x2f: {  	lr =	sadd.s32 s0, s3;
	s0 =	sld [smem:$0x3FAF]  }
0x30: {  	s3 =	sld [smem:$0x3FB2]  }
0x31: {  	[smem:$0x3FBB] =	sst s10  }
0x32: {  	s10 =	sld [smem:$0x3FB9];
	_ =	sdelay $0x3  }
0x33: {  	p0 =	seq.s32 s10, $0x1;
	s10 =	sld [smem:$0x3FBB];
	_ =	sdelay $0x3  }
0x34: {  	[smem:$0x3FBB] =	sst s10  }
0x35: {  	s10 =	sld [smem:$0x3FBA];
	_ =	sdelay $0x3  }
0x36: {  	p1 =	seq.s32 s10, $0x1;
	s10 =	sld [smem:$0x3FBB];
	_ =	sdelay $0x3  }
0x37: {  	[smem:$0x3FBB] =	sst s10  }
0x38: {  	s10 =	sld [smem:$0x3FBC]  }
0x39: {  	_ = 	snop;
	(pc) =	sbr.ind lr, $3  }
0x3a: {  	_ = 	snop  }
0x3b: {  	_ = 	snop  }
0x3c: {  	p2 =	seq.s32 s10, $0x1;
	s10 =	sld [smem:$0x3FBB]  }
0x3d: {  	_ =	shalt  }
0x3e: {  	_ =	shalt  }
0x3f: {  	_ =	shalt  }
0x40: {  	_ =	shalt  }
0x41: {  	_ =	shalt  }
0x42: {  	_ =	shalt  }
0x43: {  	_ =	shalt  }
0x44: {  	_ =	shalt  }
0x45: {  	_ =	shalt  }
0x46: {  	_ =	shalt  }
0x47: {  	_ =	shalt  }
0x48: {  	_ =	shalt  }
0x49: {  	_ =	shalt  }
0x4a: {  	_ =	shalt  }
0x4b: {  	_ =	shalt  }
0x4c: {  	_ =	shalt  }
0x4d: {  	_ =	shalt  }
0x4e: {  	_ =	shalt  }
0x4f: {  	_ =	shalt  }
0x50: {  	_ =	shalt  }
0x51: {  	_ =	shalt  }
0x52: {  	_ =	shalt  }
0x53: {  	_ =	shalt  }
0x54: {  	_ =	shalt  }
0x55: {  	_ =	shalt  }
0x56: {  	_ =	shalt  }
0x57: {  	_ =	shalt  }
0x58: {  	_ =	shalt  }
0x59: {  	_ =	shalt  }
0x5a: {  	_ =	shalt  }
0x5b: {  	_ =	shalt  }
0x5c: {  	_ =	shalt  }
0x5d: {  	_ =	shalt  }
0x5e: {  	_ =	shalt  }
0x5f: {  	_ =	shalt  }
0x60: {  	_ =	shalt  }
0x61: {  	_ =	shalt  }
0x62: {  	_ =	shalt  }
0x63: {  	_ =	shalt  }
0x64: {  	_ =	shalt  }
0x65: {  	_ =	shalt  }
0x66: {  	_ =	shalt  }
0x67: {  	_ =	shalt  }
0x68: {  	_ =	shalt  }
0x69: {  	_ =	shalt  }
0x6a: {  	_ =	shalt  }
0x6b: {  	_ =	shalt  }
0x6c: {  	_ =	shalt  }
0x6d: {  	_ =	shalt  }
0x6e: {  	_ =	shalt  }
0x6f: {  	_ =	shalt  }
0x70: {  	_ =	shalt  }
0x71: {  	_ =	shalt  }
0x72: {  	_ =	shalt  }
0x73: {  	_ =	shalt  }
0x74: {  	_ =	shalt  }
0x75: {  	_ =	shalt  }
0x76: {  	_ =	shalt  }
0x77: {  	_ =	shalt  }
0x78: {  	_ =	shalt  }
0x79: {  	_ =	shalt  }
0x7a: {  	_ =	shalt  }
0x7b: {  	_ =	shalt  }
0x7c: {  	_ =	shalt  }
0x7d: {  	_ =	shalt  }
0x7e: {  	_ =	shalt  }
0x7f: {  	_ =	shalt  }
0x80: {  	_ =	shalt  }
0x81: {  	_ =	shalt  }
0x82: {  	_ =	shalt  }
0x83: {  	_ =	shalt  }
0x84: {  	_ =	shalt  }
0x85: {  	_ =	shalt  }
0x86: {  	_ =	shalt  }
0x87: {  	_ =	shalt  }
.Lfunc_end0:
.L_simem_size_0:
called_computation_lowered:
.L_overlay_start_0:
0x88: {  	s2 =	sld [smem:$0x3FD9]  }
0x89: {  	s3 =	sld [smem:$0x3FFE];
	_ =	sdelay $0x1  }
0x8a: {  	s1 =	srdreg.scid  }
0x8b: {  	s0 =	sand.u32 $0x1, s1  }
0x8c: {  	s18 =	sshll.u32 s0, $0xA;
	s2 =	sadd.s32 s3, s2  }
0x8d: {  	s2 =	sadd.s32 s2, s18  }
0x8e: {  	[smem:$0x3FC7] =	sst s2  }
0x8f: {  	_ = 	snop  }
0x90: {  	s2 =	sld [smem:$0x3FC9]  }
0x91: {  	s19 =	sld [smem:$0x3FD0];
	(tm) =	ssettm $0x1  }
0x92: {  	s4 =	sld [smem:$0x3FFB];
	_ =	sdelay $0x3  }
0x93: {  	_ =	strace s4  }
0x94: {  	s4 =	sld [smem:$0x3FFC];
	_ =	sdelay $0x3  }
0x95: {  	_ =	strace s4  }
0x96: {  	s4 =	sld [smem:$0x3FFD];
	_ =	sdelay $0x3  }
0x97: {  	_ =	strace s4  }
0x98: {  	_ =	strace $0x8FFFFFFF  }
0x99: {  	s20 =	sld [smem:$0x3FDB];
	_ =	sdelay $0x1  }
0x9a: {  	s5 =	simm.s32 $_scs_section_size  }
0x9b: {  	s6 =	simm.s32 $_size__tile_overlayer_lowered;
	s7 =	simm.s32 $_tile_overlayer_lowered  }
0x9c: {  	s23 =	simm.s32 $0x1BFF;
	s22 =	sshll.u32 s7, $0x1;
	s4 =	sadd.s32 s5, s20  }
0x9d: {  	s8 =	simm.s32 $0x0;
	s21 =	sshll.u32 s6, $0x1;
	s6 =	sadd.s32 s22, s4  }
0x9e: {  	[timem:s8], [sflag:s23] =	dma.local [hbm:s6], s21  }
0x9f: {  	_ =	swait.ge [sflag:s23], s21  }
0xa0: {  	s5 =	ssub.s32 $0x0, s21;
	[sflag:s23] =	ssyncset.done $0x0  }
0xa1: {  	[sflag:s23] =	ssyncadd.s32 s5;
	_ =	sdelay $0x1  }
0xa2: {  	s24 =	simm.s32 $0x1B8B  }
0xa3: {  	_ =	swait.ge [sflag:s24], $0x1  }
0xa4: {  	[sflag:s24] =	ssyncset.done $0x0  }
0xa5: {  	s25 =	simm.s32 $0x1B8E;
	[sflag:s24] =	ssyncadd.s32 $0xFFFFFFFF  }
0xa6: {  	s26 =	simm.s32 $execute0_lowered;
	[smem:$0x3FD2] =	sst s25  }
0xa7: {  	s5 =	sshll.u32 s26, $0x1;
	_ =	strace $0x80000046;
	[dreg:$0x1] =	wrdreg $0xFFFFFFFF  }
0xa8: {  	s28 =	simm.s32 $_size_execute0_lowered;
	s4 =	sadd.s32 s4, s5;
	[dreg:$0x0] =	wrdreg $0x0  }
0xa9: {  	s5 =	sshll.u32 s28, $0x1;
	[dreg:$0x2] =	wrdreg s4  }
0xaa: {  	[dreg:$0x3] =	wrdreg s5  }
0xab: {  	[dreg:$0x4] =	wrdreg $0xC0  }
0xac: {  	_ =	task [dreg:s8], $0x5FFFF  }
0xad: {  	[dreg:$0x1] =	wrdreg $0xFFFFFFFF  }
0xae: {  	[dreg:$0x0] =	wrdreg $0x60  }
0xaf: {  	[dreg:$0x2] =	wrdreg s2  }
0xb0: {  	[dreg:$0x3] =	wrdreg s19  }
0xb1: {  	[dreg:$0x4] =	wrdreg $0x9  }
0xb2: {  	_ =	task.clear_ibuf [dreg:s8], $0x5FFFF;
	_ =	strace $0x90000046  }
0xb3: {  	s29 =	simm.s32 $0x9;
	_ =	strace $0x80000048  }
0xb4: {  	_ =	swait.ge [sflag:s29], $0x1  }
0xb5: {  	[sflag:s29] =	ssyncadd.s32 $0xFFFFFFFF  }
0xb6: {  	_ =	strace $0x90000048  }
0xb7: {  	_ =	sfence  }
0xb8: {  	s30 =	sld [smem:$0x0];
	_ =	sdelay $0x2  }
0xb9: {  	s31 =	sshll.u32 s1, $0xD;
	s1 =	sshrl.u32 s1, $0x2  }
0xba: {  	s3 =	sand.u32 $0x4000, s31;
	s1 =	sadd.s32 s1, s30  }
0xbb: {  	s0 =	sor.u32 s3, s0;
	s1 =	sshll.u32 s1, $0x11  }
0xbc: {  	s0 =	sor.u32 s1, s0  }
0xbd: {  	s0 =	sadd.s32 $0x8F2B, s0  }
0xbe: {  	[sflag:s0] =	ssyncadd.remote.s32 $0x1  }
0xbf: {  	_ =	sfence.sel $0xFFFF  }
0xc0: {  	[dreg:$0x0] =	wrdreg $0xFFFFFFFF;
	(pc) =	sbr.abs _section_cstart, $3  }
0xc1: {  	[dreg:$0x1] =	wrdreg $0xFFFFFFFF  }
0xc2: {  	_ =	task.clear_ibuf [dreg:s8], $0x2FFFF;
	_ =	strace $0x9FFFFFFF  }
0xc3: {  	(tm) =	ssettm $0x7FFFFFFF  }
tec
execute0_lowered:
.L_overlay_start_1:
0x0: {  	(tag) =	ssettag $0x1  }
0x1: {  	s0 =	srdreg.scid;
	s2 =	rddreg [dreg:$0x0]  }
0x2: {  	s1 =	stileid.u32;
	s3 =	rddreg [dreg:$0x1]  }
0x3: {  	s4 =	simm.s32 $0x0;
	s15 =	simm.s32 $0x14500;
	s16 =	simm.s32 $0x3  }
0x4: {  	s17 =	simm.s32 $0x2800;
	s18 =	simm.s32 $0xC80000;
	s19 =	simm.s32 $0x14A00  }
0x5: {  	s20 =	simm.s32 $0x4;
	s21 =	simm.s32 $0xA000;
	s22 =	simm.s32 $0x14F00  }
0x6: {  	s23 =	simm.s32 $0x5;
	s24 =	simm.s32 $0x1;
	s25 =	simm.s32 $0x6  }
0x7: {  	s26 =	simm.s32 $0x2;
	s0 =	sand.u32 $0x1, s0;
	s1 =	sshll.u32 s1, $0x1  }
0x8: {  	s28 =	simm.s32 $0x0;
	s1 =	sor.u32 s0, s1;
	s0 =	ssub.s32 $0x2, s0  }
0x9: {  	[smem:$0x7FF] =	sst s4;
	s1 =	smul.u32 $0xC800, s1;
	s5 =	sshrl.u32 s0, $0x1  }
.Ltmp0:
0xa: {  	_ =	strace $0x80000047;
	s0 =	ssub.s32 s0, s5;
	(pc) =	sbr.rel .LBB2_1-.Ltmp0, $4  }
0xb: {  	v0 =	vlaneseq.u32;
	s6 =	sshrl.u32 s1, $0x3;
	s8 =	sadd.s32 $0xA00, s1;
	s10 =	sadd.s32 $0xF00, s1  }
0xc: {  	v1 =	vimm.f32 $0.0e+00;
	v2 =	vimm.f32 $1.000000000e+00;
	v3 =	vor.u32 $0x10, v0;
	s11 =	sadd.s32 $0x1400, s1;
	s0 =	smax.u32 s0, $0x1;
	s5 =	sadd.s32 s2, s6  }
0xd: {  	v4 =	vor.u32 $0x20, v0;
	v5 =	vor.u32 $0x30, v0;
	v6 =	vor.u32 $0x40, v0;
	s6 =	sadd.s32 s3, s1;
	[dreg:$0x4] =	wrdreg s0;
	s7 =	sadd.s32 $0xA0, s5  }
0xe: {  	v7 =	vor.u32 $0x50, v0;
	v8 =	vor.u32 $0x60, v0;
	v9 =	vor.u32 $0x70, v0;
	s12 =	sadd.s32 $0x1900, s1;
	s9 =	sadd.s32 $0x500, s6;
	[dreg:$0x3] =	wrdreg s7  }
.LBB2_24:
0xf: {  	_ =	swait.ge [sflag:s24], $0xA000  }
0x10: {  	[sflag:s24] =	ssyncset.done $0x0  }
0x11: {  	[sflag:s24] =	ssyncadd.s32 $0xFFFF6000  }
0x12: {  	_ =	swait.ge [sflag:s26], $0xA000  }
0x13: {  	s28 =	sadd.s32 $0x1, s28;
	s0 =	rddreg [dreg:$0x4]  }
0x14: {  	p0 =	sne.s32 s28, s0  }
.Ltmp1:
0x15: {  	_ = 	snop;
	(pc) =	sbr.rel @!p0 .LBB2_25-.Ltmp1, $3  }
0x16: {  	_ =	sdelay $0x1  }
0x17: {  	[sflag:s26] =	ssyncset.done $0x0  }
0x18: {  	[sflag:s26] =	ssyncadd.s32 $0xFFFF6000  }
.LBB2_1:
0x19: {  	s0 =	sand.u32 $0x70, s4;
	s1 =	sand.u32 $0x3C00, s4  }
0x1a: {  	s0 =	sor.u32 s0, s1  }
0x1b: {  	[tilespmem:s0+$0xA300] =	vst v1  }
0x1c: {  	[tilespmem:s0+$0x300] =	vst v1  }
0x1d: {  	[tilespmem:s0+$0xA280] =	vst v1  }
0x1e: {  	[tilespmem:s0+$0xA200] =	vst v1  }
0x1f: {  	[tilespmem:s0+$0x280] =	vst v1  }
0x20: {  	[tilespmem:s0+$0xA180] =	vst v1  }
0x21: {  	[tilespmem:s0+$0x200] =	vst v1  }
0x22: {  	[tilespmem:s0+$0x180] =	vst v1  }
0x23: {  	[tilespmem:s0+$0x100] =	vst v1  }
0x24: {  	[tilespmem:s0+$0xA080] =	vst v1  }
0x25: {  	s31 =	sand.u32 $0x7, s4;
	[tilespmem:s0+$0x80] =	vst v1  }
0x26: {  	s1 =	sshll.u32 s31, $0x4;
	[tilespmem:s0+$0xA000] =	vst v1  }
0x27: {  	s1 =	sadd.s32 $0x0, s1;
	[tilespmem:s0+$0x0] =	vst v1  }
0x28: {  	[tilespmem:s0+$0xA100] =	vst v1;
	s1 =	sor.u32 $0x380, s1  }
0x29: {  	[tilespmem:s1+$0x0] =	vst v1  }
0x2a: {  	[tilespmem:s1+$0xA000] =	vst v1  }
0x2b: {  	[tilespmem:s0+$0x7800] =	vst v1  }
0x2c: {  	[tilespmem:s0+$0xF380] =	vst v1  }
0x2d: {  	[tilespmem:s0+$0x5380] =	vst v1  }
0x2e: {  	[tilespmem:s0+$0xF300] =	vst v1  }
0x2f: {  	[tilespmem:s0+$0x5300] =	vst v1  }
0x30: {  	[tilespmem:s0+$0xF280] =	vst v1  }
0x31: {  	[tilespmem:s0+$0x5280] =	vst v1  }
0x32: {  	[tilespmem:s0+$0xF200] =	vst v1  }
0x33: {  	[tilespmem:s0+$0x5200] =	vst v1  }
0x34: {  	[tilespmem:s0+$0xF180] =	vst v1  }
0x35: {  	[tilespmem:s0+$0x5180] =	vst v1  }
0x36: {  	[tilespmem:s0+$0xF100] =	vst v1  }
0x37: {  	[tilespmem:s0+$0x5100] =	vst v1  }
0x38: {  	[tilespmem:s0+$0xF080] =	vst v1  }
0x39: {  	[tilespmem:s0+$0x5080] =	vst v1  }
0x3a: {  	[tilespmem:s0+$0xF000] =	vst v1  }
0x3b: {  	[tilespmem:s0+$0x5000] =	vst v1  }
0x3c: {  	[tilespmem:s0+$0xCB80] =	vst v1  }
0x3d: {  	[tilespmem:s0+$0x2B80] =	vst v1  }
0x3e: {  	[tilespmem:s0+$0xCB00] =	vst v1  }
0x3f: {  	[tilespmem:s0+$0x2B00] =	vst v1  }
0x40: {  	[tilespmem:s0+$0xCA80] =	vst v1  }
0x41: {  	[tilespmem:s0+$0x2A80] =	vst v1  }
0x42: {  	[tilespmem:s0+$0xCA00] =	vst v1  }
0x43: {  	[tilespmem:s0+$0x2A00] =	vst v1  }
0x44: {  	[tilespmem:s0+$0xC980] =	vst v1  }
0x45: {  	[tilespmem:s0+$0x2980] =	vst v1  }
0x46: {  	[tilespmem:s0+$0xC900] =	vst v1  }
0x47: {  	[tilespmem:s0+$0x2880] =	vst v1  }
0x48: {  	[tilespmem:s0+$0xC800] =	vst v1  }
0x49: {  	s14 =	simm.s32 $0x10;
	[tilespmem:s0+$0x2900] =	vst v1  }
0x4a: {  	s29 =	simm.s32 $0x1;
	s7 =	sadd.s32 $0x7800, s0;
	s1 =	simm.s32 $0x80;
	[tilespmem:s0+$0x2800] =	vst v1  }
.LBB2_2:
0x4b: {  	s31 =	sand.u32 $0x70, s14  }
0x4c: {  	s13 =	sand.u32 $0x3C00, s1;
	[tilespmem:s0+$0xC880] =	vst v1;
	s0 =	smov.u32 s14;
	s30 =	sadd.s32 $0x10, s14  }
0x4d: {  	p0 =	sne.s32 s14, $0x4F0;
	s0 =	sor.u32 s31, s13;
	[tilespmem:s7+$0xA000] =	vst v1  }
0x4e: {  	[tilespmem:s0+$0xA300] =	vst v1  }
0x4f: {  	[tilespmem:s0+$0x300] =	vst v1  }
0x50: {  	[tilespmem:s0+$0xA280] =	vst v1  }
0x51: {  	[tilespmem:s0+$0xA200] =	vst v1  }
0x52: {  	[tilespmem:s0+$0x280] =	vst v1  }
0x53: {  	[tilespmem:s0+$0xA180] =	vst v1  }
0x54: {  	[tilespmem:s0+$0x200] =	vst v1  }
0x55: {  	s7 =	sand.u32 $0x7, s29;
	[tilespmem:s0+$0x180] =	vst v1  }
0x56: {  	s7 =	sshll.u32 s7, $0x4;
	[tilespmem:s0+$0x100] =	vst v1  }
0x57: {  	s7 =	sadd.s32 s7, s1;
	[tilespmem:s0+$0xA080] =	vst v1  }
0x58: {  	s7 =	sor.u32 $0x380, s7;
	[tilespmem:s0+$0x80] =	vst v1  }
0x59: {  	[tilespmem:s0+$0xA000] =	vst v1  }
0x5a: {  	[tilespmem:s0+$0x0] =	vst v1  }
0x5b: {  	[tilespmem:s0+$0xA100] =	vst v1  }
0x5c: {  	[tilespmem:s7+$0x0] =	vst v1  }
0x5d: {  	[tilespmem:s7+$0xA000] =	vst v1  }
0x5e: {  	[tilespmem:s0+$0x7800] =	vst v1  }
0x5f: {  	[tilespmem:s0+$0xF380] =	vst v1  }
0x60: {  	[tilespmem:s0+$0x5380] =	vst v1  }
0x61: {  	[tilespmem:s0+$0xF300] =	vst v1  }
0x62: {  	[tilespmem:s0+$0x5300] =	vst v1  }
0x63: {  	[tilespmem:s0+$0xF280] =	vst v1  }
0x64: {  	[tilespmem:s0+$0x5280] =	vst v1  }
0x65: {  	[tilespmem:s0+$0xF200] =	vst v1  }
0x66: {  	[tilespmem:s0+$0x5200] =	vst v1  }
0x67: {  	[tilespmem:s0+$0xF180] =	vst v1  }
0x68: {  	[tilespmem:s0+$0x5180] =	vst v1  }
0x69: {  	[tilespmem:s0+$0xF100] =	vst v1  }
0x6a: {  	[tilespmem:s0+$0x5100] =	vst v1  }
0x6b: {  	[tilespmem:s0+$0xF080] =	vst v1  }
0x6c: {  	[tilespmem:s0+$0x5080] =	vst v1  }
0x6d: {  	[tilespmem:s0+$0xF000] =	vst v1  }
0x6e: {  	[tilespmem:s0+$0x5000] =	vst v1  }
0x6f: {  	[tilespmem:s0+$0xCB80] =	vst v1  }
0x70: {  	[tilespmem:s0+$0x2B80] =	vst v1  }
0x71: {  	[tilespmem:s0+$0xCB00] =	vst v1  }
0x72: {  	[tilespmem:s0+$0x2B00] =	vst v1  }
0x73: {  	[tilespmem:s0+$0xCA80] =	vst v1  }
0x74: {  	[tilespmem:s0+$0x2A80] =	vst v1  }
0x75: {  	[tilespmem:s0+$0xCA00] =	vst v1  }
0x76: {  	[tilespmem:s0+$0x2A00] =	vst v1  }
0x77: {  	[tilespmem:s0+$0xC980] =	vst v1  }
0x78: {  	[tilespmem:s0+$0x2980] =	vst v1  }
.Ltmp2:
0x79: {  	[tilespmem:s0+$0xC900] =	vst v1;
	(pc) =	sbr.rel @p0 .LBB2_2-.Ltmp2, $4  }
0x7a: {  	[tilespmem:s0+$0x2880] =	vst v1  }
0x7b: {  	[tilespmem:s0+$0xC800] =	vst v1  }
0x7c: {  	s29 =	sadd.s32 $0x1, s29;
	[tilespmem:s0+$0x2900] =	vst v1  }
0x7d: {  	s14 =	smov.u32 s30;
	s1 =	sadd.s32 $0x80, s1;
	s7 =	sadd.s32 $0x7800, s0;
	[tilespmem:s0+$0x2800] =	vst v1  }
0x7e: {  	[tilespmem:s0+$0xC880] =	vst v1  }
0x7f: {  	s29 =	simm.s32 $0x0;
	s30 =	simm.s32 $0x14000;
	[tilespmem:s7+$0xA000] =	vst v1  }
0x80: {  	[tilespmem:s30], [sflag:$0x3] =	stream.linear.gather [hbm4b:s5+s29], $0x500, $0x38;
	[tilespmem:$0x15400] =	vst v63  }
0x81: {  	s31 =	rddreg [dreg:$0x3]  }
0x82: {  	[tilespmem:s15], [sflag:$0x4] =	stream.linear.gather [hbm4b:s31+s29], $0x500, $0x38;
	[tilespmem:$0x15400] =	vst v63  }
.LBB2_4:
0x83: {  	p0 =	seq.s32 s29, $0x0  }
.Ltmp3:
0x84: {  	_ = 	snop;
	(pc) =	sbr.rel @p0 .LBB2_7-.Ltmp3, $4  }
0x85: {  	_ = 	snop  }
0x86: {  	_ =	swait.ge [sflag:s16], $0x500  }
0x87: {  	[sflag:s16] =	ssyncset.done $0x0  }
0x88: {  	[sflag:s16] =	ssyncadd.s32 $0xFFFFFB00  }
0x89: {  	_ =	swait.ge [sflag:s24], $0xA000  }
0x8a: {  	[sflag:s24] =	ssyncset.done $0x0  }
0x8b: {  	s0 =	simm.s32 $0x0;
	s1 =	simm.s32 $0x14A40;
	[sflag:s24] =	ssyncadd.s32 $0xFFFF6000  }
.LBB2_6:
0x8c: {  	v10 =	vld [tilespmem:s1+$0xFFFFFFC0];
	_ =	sdelay $0x2  }
0x8d: {  	v11 =	vmov s0  }
0x8e: {  	v11 =	vshrl.u32 v11, $0x7  }
0x8f: {  	v11 =	vshll.u32 v11, $0xA;
	v12 =	vshrl.u32 v10, $0x3  }
0x90: {  	v11 =	vbroadcast v11, $0x0;
	v12 =	vmul.u32 $0x2800, v12  }
0x91: {  	v10 =	vshll.u32 v10, $0x7  }
0x92: {  	v10 =	vand.u32 $0x380, v10;
	v12 =	vadd.s32 v11, v12  }
0x93: {  	v10 =	vor.u32 v10, v12  }
0x94: {  	v10 =	vor.u32 v0, v10;
	_ =	sdelay $0x4  }
0x95: {  	[tilespmem:v10+s4+$0x0] =	vst.idx.msk $0xffff, v1  }
0x96: {  	v10 =	vld [tilespmem:s1+$0xFFFFFFD0];
	_ =	sdelay $0x4  }
0x97: {  	v57 =	vshrl.u32 v10, $0x3  }
0x98: {  	v12 =	vmul.u32 $0x2800, v57  }
0x99: {  	v10 =	vshll.u32 v10, $0x7  }
0x9a: {  	v10 =	vand.u32 $0x380, v10;
	v12 =	vadd.s32 v11, v12  }
0x9b: {  	v10 =	vor.u32 v10, v12  }
0x9c: {  	v10 =	vor.u32 v3, v10;
	_ =	sdelay $0x4  }
0x9d: {  	[tilespmem:v10+s4+$0x0] =	vst.idx.msk $0xffff, v1  }
0x9e: {  	v10 =	vld [tilespmem:s1+$0xFFFFFFE0];
	_ =	sdelay $0x4  }
0x9f: {  	v58 =	vshrl.u32 v10, $0x3  }
0xa0: {  	v12 =	vmul.u32 $0x2800, v58  }
0xa1: {  	v10 =	vshll.u32 v10, $0x7  }
0xa2: {  	v10 =	vand.u32 $0x380, v10;
	v12 =	vadd.s32 v11, v12  }
0xa3: {  	v10 =	vor.u32 v10, v12  }
0xa4: {  	v10 =	vor.u32 v4, v10;
	_ =	sdelay $0x4  }
0xa5: {  	[tilespmem:v10+s4+$0x0] =	vst.idx.msk $0xffff, v1  }
0xa6: {  	v10 =	vld [tilespmem:s1+$0xFFFFFFF0];
	_ =	sdelay $0x4  }
0xa7: {  	v59 =	vshrl.u32 v10, $0x3  }
0xa8: {  	v12 =	vmul.u32 $0x2800, v59  }
0xa9: {  	v10 =	vshll.u32 v10, $0x7  }
0xaa: {  	v10 =	vand.u32 $0x380, v10;
	v12 =	vadd.s32 v11, v12  }
0xab: {  	v10 =	vor.u32 v10, v12  }
0xac: {  	v10 =	vor.u32 v5, v10;
	_ =	sdelay $0x4  }
0xad: {  	[tilespmem:v10+s4+$0x0] =	vst.idx.msk $0xffff, v1  }
0xae: {  	v10 =	vld [tilespmem:s1+$0x0];
	_ =	sdelay $0x4  }
0xaf: {  	v60 =	vshrl.u32 v10, $0x3  }
0xb0: {  	v12 =	vmul.u32 $0x2800, v60  }
0xb1: {  	v10 =	vshll.u32 v10, $0x7  }
0xb2: {  	v10 =	vand.u32 $0x380, v10;
	v12 =	vadd.s32 v11, v12  }
0xb3: {  	v10 =	vor.u32 v10, v12  }
0xb4: {  	v10 =	vor.u32 v6, v10;
	_ =	sdelay $0x4  }
0xb5: {  	[tilespmem:v10+s4+$0x0] =	vst.idx.msk $0xffff, v1  }
0xb6: {  	v10 =	vld [tilespmem:s1+$0x10];
	_ =	sdelay $0x4  }
0xb7: {  	v61 =	vshrl.u32 v10, $0x3  }
0xb8: {  	v12 =	vmul.u32 $0x2800, v61  }
0xb9: {  	v10 =	vshll.u32 v10, $0x7  }
0xba: {  	v10 =	vand.u32 $0x380, v10;
	v12 =	vadd.s32 v11, v12  }
0xbb: {  	v10 =	vor.u32 v10, v12  }
0xbc: {  	v10 =	vor.u32 v7, v10;
	_ =	sdelay $0x4  }
0xbd: {  	[tilespmem:v10+s4+$0x0] =	vst.idx.msk $0xffff, v1  }
0xbe: {  	v10 =	vld [tilespmem:s1+$0x20];
	_ =	sdelay $0x4  }
0xbf: {  	v62 =	vshrl.u32 v10, $0x3  }
0xc0: {  	v12 =	vmul.u32 $0x2800, v62  }
0xc1: {  	v10 =	vshll.u32 v10, $0x7  }
0xc2: {  	v10 =	vand.u32 $0x380, v10;
	v12 =	vadd.s32 v11, v12  }
0xc3: {  	v10 =	vor.u32 v10, v12  }
0xc4: {  	v10 =	vor.u32 v8, v10;
	_ =	sdelay $0x4  }
0xc5: {  	[tilespmem:v10+s4+$0x0] =	vst.idx.msk $0xffff, v1  }
0xc6: {  	v10 =	vld [tilespmem:s1+$0x30];
	_ =	sdelay $0x4  }
0xc7: {  	v63 =	vshrl.u32 v10, $0x3  }
0xc8: {  	v12 =	vmul.u32 $0x2800, v63  }
0xc9: {  	v10 =	vshll.u32 v10, $0x7  }
0xca: {  	v10 =	vand.u32 $0x380, v10;
	v11 =	vadd.s32 v11, v12  }
0xcb: {  	v10 =	vor.u32 v10, v11  }
0xcc: {  	p1 =	sne.s32 s0, $0x480;
	v10 =	vor.u32 v9, v10  }
.Ltmp4:
0xcd: {  	_ = 	snop;
	(pc) =	sbr.rel @p1 .LBB2_6-.Ltmp4, $2  }
0xce: {  	_ =	sdelay $0x2  }
0xcf: {  	s0 =	sadd.s32 $0x80, s0;
	s1 =	sadd.s32 $0x80, s1;
	[tilespmem:v10+s4+$0x0] =	vst.idx.msk $0xffff, v1  }
.LBB2_7:
0xd0: {  	s30 =	smul.u32 $0x1400, s29;
	s0 =	simm.s32 $0x0;
	s1 =	simm.s32 $0x14040  }
.LBB2_8:
0xd1: {  	v10 =	vld [tilespmem:s1+$0xFFFFFFC0];
	_ =	sdelay $0x2  }
0xd2: {  	v11 =	vmov s0  }
0xd3: {  	v11 =	vshrl.u32 v11, $0x7  }
0xd4: {  	v11 =	vshll.u32 v11, $0xA;
	v12 =	vshrl.u32 v10, $0x3  }
0xd5: {  	v11 =	vbroadcast v11, $0x0;
	v12 =	vmul.u32 $0x2800, v12  }
0xd6: {  	v10 =	vshll.u32 v10, $0x7  }
0xd7: {  	v10 =	vand.u32 $0x380, v10;
	v12 =	vadd.s32 v11, v12  }
0xd8: {  	v10 =	vor.u32 v10, v12  }
0xd9: {  	v10 =	vor.u32 v0, v10;
	_ =	sdelay $0x4  }
0xda: {  	[tilespmem:v10+s4+$0x0] =	vst.idx.msk $0xffff, v2  }
0xdb: {  	v10 =	vld [tilespmem:s1+$0xFFFFFFD0];
	_ =	sdelay $0x4  }
0xdc: {  	v57 =	vshrl.u32 v10, $0x3  }
0xdd: {  	v12 =	vmul.u32 $0x2800, v57  }
0xde: {  	v10 =	vshll.u32 v10, $0x7  }
0xdf: {  	v10 =	vand.u32 $0x380, v10;
	v12 =	vadd.s32 v11, v12  }
0xe0: {  	v10 =	vor.u32 v10, v12  }
0xe1: {  	v10 =	vor.u32 v3, v10;
	_ =	sdelay $0x4  }
0xe2: {  	[tilespmem:v10+s4+$0x0] =	vst.idx.msk $0xffff, v2  }
0xe3: {  	v10 =	vld [tilespmem:s1+$0xFFFFFFE0];
	_ =	sdelay $0x4  }
0xe4: {  	v58 =	vshrl.u32 v10, $0x3  }
0xe5: {  	v12 =	vmul.u32 $0x2800, v58  }
0xe6: {  	v10 =	vshll.u32 v10, $0x7  }
0xe7: {  	v10 =	vand.u32 $0x380, v10;
	v12 =	vadd.s32 v11, v12  }
0xe8: {  	v10 =	vor.u32 v10, v12  }
0xe9: {  	v10 =	vor.u32 v4, v10;
	_ =	sdelay $0x4  }
0xea: {  	[tilespmem:v10+s4+$0x0] =	vst.idx.msk $0xffff, v2  }
0xeb: {  	v10 =	vld [tilespmem:s1+$0xFFFFFFF0];
	_ =	sdelay $0x4  }
0xec: {  	v59 =	vshrl.u32 v10, $0x3  }
0xed: {  	v12 =	vmul.u32 $0x2800, v59  }
0xee: {  	v10 =	vshll.u32 v10, $0x7  }
0xef: {  	v10 =	vand.u32 $0x380, v10;
	v12 =	vadd.s32 v11, v12  }
0xf0: {  	v10 =	vor.u32 v10, v12  }
0xf1: {  	v10 =	vor.u32 v5, v10;
	_ =	sdelay $0x4  }
0xf2: {  	[tilespmem:v10+s4+$0x0] =	vst.idx.msk $0xffff, v2  }
0xf3: {  	v10 =	vld [tilespmem:s1+$0x0];
	_ =	sdelay $0x4  }
0xf4: {  	v60 =	vshrl.u32 v10, $0x3  }
0xf5: {  	v12 =	vmul.u32 $0x2800, v60  }
0xf6: {  	v10 =	vshll.u32 v10, $0x7  }
0xf7: {  	v10 =	vand.u32 $0x380, v10;
	v12 =	vadd.s32 v11, v12  }
0xf8: {  	v10 =	vor.u32 v10, v12  }
0xf9: {  	v10 =	vor.u32 v6, v10;
	_ =	sdelay $0x4  }
0xfa: {  	[tilespmem:v10+s4+$0x0] =	vst.idx.msk $0xffff, v2  }
0xfb: {  	v10 =	vld [tilespmem:s1+$0x10];
	_ =	sdelay $0x4  }
0xfc: {  	v61 =	vshrl.u32 v10, $0x3  }
0xfd: {  	v12 =	vmul.u32 $0x2800, v61  }
0xfe: {  	v10 =	vshll.u32 v10, $0x7  }
0xff: {  	v10 =	vand.u32 $0x380, v10;
	v12 =	vadd.s32 v11, v12  }
0x100: {  	v10 =	vor.u32 v10, v12  }
0x101: {  	v10 =	vor.u32 v7, v10;
	_ =	sdelay $0x4  }
0x102: {  	[tilespmem:v10+s4+$0x0] =	vst.idx.msk $0xffff, v2  }
0x103: {  	v10 =	vld [tilespmem:s1+$0x20];
	_ =	sdelay $0x4  }
0x104: {  	v62 =	vshrl.u32 v10, $0x3  }
0x105: {  	v12 =	vmul.u32 $0x2800, v62  }
0x106: {  	v10 =	vshll.u32 v10, $0x7  }
0x107: {  	v10 =	vand.u32 $0x380, v10;
	v12 =	vadd.s32 v11, v12  }
0x108: {  	v10 =	vor.u32 v10, v12  }
0x109: {  	v10 =	vor.u32 v8, v10;
	_ =	sdelay $0x4  }
0x10a: {  	[tilespmem:v10+s4+$0x0] =	vst.idx.msk $0xffff, v2  }
0x10b: {  	v10 =	vld [tilespmem:s1+$0x30];
	_ =	sdelay $0x4  }
0x10c: {  	v63 =	vshrl.u32 v10, $0x3  }
0x10d: {  	v12 =	vmul.u32 $0x2800, v63  }
0x10e: {  	v10 =	vshll.u32 v10, $0x7  }
0x10f: {  	v10 =	vand.u32 $0x380, v10;
	v11 =	vadd.s32 v11, v12  }
0x110: {  	v10 =	vor.u32 v10, v11  }
0x111: {  	p1 =	sne.s32 s0, $0x480;
	v10 =	vor.u32 v9, v10  }
.Ltmp5:
0x112: {  	_ = 	snop;
	(pc) =	sbr.rel @p1 .LBB2_8-.Ltmp5, $2  }
0x113: {  	_ =	sdelay $0x2  }
0x114: {  	s0 =	sadd.s32 $0x80, s0;
	s1 =	sadd.s32 $0x80, s1;
	[tilespmem:v10+s4+$0x0] =	vst.idx.msk $0xffff, v2  }
0x115: {  	s0 =	sadd.s32 s30, s6;
	s31 =	sadd.s32 s30, s8  }
0x116: {  	[hbm4b:s0+s17] =	stream.strided.scatter [tilespmem:s4], [sflag:$0x1], $0xA000, s18, s17, $0x38;
	[tilespmem:$0x15400] =	vst v63  }
0x117: {  	s14 =	sshrl.u32 s31, $0x3  }
.Ltmp6:
0x118: {  	s0 =	sadd.s32 s2, s14;
	(pc) =	sbr.rel @p0 .LBB2_12-.Ltmp6, $4  }
0x119: {  	[tilespmem:s19], [sflag:$0x5] =	stream.linear.gather [hbm4b:s0+s4], $0x500, $0x38;
	[tilespmem:$0x15400] =	vst v63  }
0x11a: {  	_ =	swait.ge [sflag:s20], $0x500  }
0x11b: {  	[sflag:s20] =	ssyncset.done $0x0  }
0x11c: {  	[sflag:s20] =	ssyncadd.s32 $0xFFFFFB00  }
0x11d: {  	_ =	swait.ge [sflag:s26], $0xA000  }
0x11e: {  	[sflag:s26] =	ssyncset.done $0x0  }
0x11f: {  	s0 =	simm.s32 $0x0;
	s1 =	simm.s32 $0x14F40;
	[sflag:s26] =	ssyncadd.s32 $0xFFFF6000  }
.LBB2_11:
0x120: {  	v10 =	vld [tilespmem:s1+$0xFFFFFFC0];
	_ =	sdelay $0x2  }
0x121: {  	v11 =	vmov s0  }
0x122: {  	v11 =	vshrl.u32 v11, $0x7  }
0x123: {  	v11 =	vshll.u32 v11, $0xA;
	v12 =	vshrl.u32 v10, $0x3  }
0x124: {  	v11 =	vbroadcast v11, $0x0;
	v12 =	vmul.u32 $0x2800, v12  }
0x125: {  	v10 =	vshll.u32 v10, $0x7  }
0x126: {  	v10 =	vand.u32 $0x380, v10;
	v12 =	vadd.s32 v11, v12  }
0x127: {  	v10 =	vor.u32 v10, v12  }
0x128: {  	v10 =	vor.u32 v0, v10;
	_ =	sdelay $0x4  }
0x129: {  	[tilespmem:v10+s21+$0x0] =	vst.idx.msk $0xffff, v1  }
0x12a: {  	v10 =	vld [tilespmem:s1+$0xFFFFFFD0];
	_ =	sdelay $0x4  }
0x12b: {  	v57 =	vshrl.u32 v10, $0x3  }
0x12c: {  	v12 =	vmul.u32 $0x2800, v57  }
0x12d: {  	v10 =	vshll.u32 v10, $0x7  }
0x12e: {  	v10 =	vand.u32 $0x380, v10;
	v12 =	vadd.s32 v11, v12  }
0x12f: {  	v10 =	vor.u32 v10, v12  }
0x130: {  	v10 =	vor.u32 v3, v10;
	_ =	sdelay $0x4  }
0x131: {  	[tilespmem:v10+s21+$0x0] =	vst.idx.msk $0xffff, v1  }
0x132: {  	v10 =	vld [tilespmem:s1+$0xFFFFFFE0];
	_ =	sdelay $0x4  }
0x133: {  	v58 =	vshrl.u32 v10, $0x3  }
0x134: {  	v12 =	vmul.u32 $0x2800, v58  }
0x135: {  	v10 =	vshll.u32 v10, $0x7  }
0x136: {  	v10 =	vand.u32 $0x380, v10;
	v12 =	vadd.s32 v11, v12  }
0x137: {  	v10 =	vor.u32 v10, v12  }
0x138: {  	v10 =	vor.u32 v4, v10;
	_ =	sdelay $0x4  }
0x139: {  	[tilespmem:v10+s21+$0x0] =	vst.idx.msk $0xffff, v1  }
0x13a: {  	v10 =	vld [tilespmem:s1+$0xFFFFFFF0];
	_ =	sdelay $0x4  }
0x13b: {  	v59 =	vshrl.u32 v10, $0x3  }
0x13c: {  	v12 =	vmul.u32 $0x2800, v59  }
0x13d: {  	v10 =	vshll.u32 v10, $0x7  }
0x13e: {  	v10 =	vand.u32 $0x380, v10;
	v12 =	vadd.s32 v11, v12  }
0x13f: {  	v10 =	vor.u32 v10, v12  }
0x140: {  	v10 =	vor.u32 v5, v10;
	_ =	sdelay $0x4  }
0x141: {  	[tilespmem:v10+s21+$0x0] =	vst.idx.msk $0xffff, v1  }
0x142: {  	v10 =	vld [tilespmem:s1+$0x0];
	_ =	sdelay $0x4  }
0x143: {  	v60 =	vshrl.u32 v10, $0x3  }
0x144: {  	v12 =	vmul.u32 $0x2800, v60  }
0x145: {  	v10 =	vshll.u32 v10, $0x7  }
0x146: {  	v10 =	vand.u32 $0x380, v10;
	v12 =	vadd.s32 v11, v12  }
0x147: {  	v10 =	vor.u32 v10, v12  }
0x148: {  	v10 =	vor.u32 v6, v10;
	_ =	sdelay $0x4  }
0x149: {  	[tilespmem:v10+s21+$0x0] =	vst.idx.msk $0xffff, v1  }
0x14a: {  	v10 =	vld [tilespmem:s1+$0x10];
	_ =	sdelay $0x4  }
0x14b: {  	v61 =	vshrl.u32 v10, $0x3  }
0x14c: {  	v12 =	vmul.u32 $0x2800, v61  }
0x14d: {  	v10 =	vshll.u32 v10, $0x7  }
0x14e: {  	v10 =	vand.u32 $0x380, v10;
	v12 =	vadd.s32 v11, v12  }
0x14f: {  	v10 =	vor.u32 v10, v12  }
0x150: {  	v10 =	vor.u32 v7, v10;
	_ =	sdelay $0x4  }
0x151: {  	[tilespmem:v10+s21+$0x0] =	vst.idx.msk $0xffff, v1  }
0x152: {  	v10 =	vld [tilespmem:s1+$0x20];
	_ =	sdelay $0x4  }
0x153: {  	v62 =	vshrl.u32 v10, $0x3  }
0x154: {  	v12 =	vmul.u32 $0x2800, v62  }
0x155: {  	v10 =	vshll.u32 v10, $0x7  }
0x156: {  	v10 =	vand.u32 $0x380, v10;
	v12 =	vadd.s32 v11, v12  }
0x157: {  	v10 =	vor.u32 v10, v12  }
0x158: {  	v10 =	vor.u32 v8, v10;
	_ =	sdelay $0x4  }
0x159: {  	[tilespmem:v10+s21+$0x0] =	vst.idx.msk $0xffff, v1  }
0x15a: {  	v10 =	vld [tilespmem:s1+$0x30];
	_ =	sdelay $0x4  }
0x15b: {  	v63 =	vshrl.u32 v10, $0x3  }
0x15c: {  	v12 =	vmul.u32 $0x2800, v63  }
0x15d: {  	v10 =	vshll.u32 v10, $0x7  }
0x15e: {  	v10 =	vand.u32 $0x380, v10;
	v11 =	vadd.s32 v11, v12  }
0x15f: {  	v10 =	vor.u32 v10, v11  }
0x160: {  	p0 =	sne.s32 s0, $0x480;
	v10 =	vor.u32 v9, v10  }
.Ltmp7:
0x161: {  	_ = 	snop;
	(pc) =	sbr.rel @p0 .LBB2_11-.Ltmp7, $2  }
0x162: {  	_ =	sdelay $0x2  }
0x163: {  	s0 =	sadd.s32 $0x80, s0;
	s1 =	sadd.s32 $0x80, s1;
	[tilespmem:v10+s21+$0x0] =	vst.idx.msk $0xffff, v1  }
.LBB2_12:
0x164: {  	s0 =	simm.s32 $0x0;
	s1 =	simm.s32 $0x14540  }
.LBB2_13:
0x165: {  	v10 =	vld [tilespmem:s1+$0xFFFFFFC0];
	_ =	sdelay $0x2  }
0x166: {  	v11 =	vmov s0  }
0x167: {  	v11 =	vshrl.u32 v11, $0x7  }
0x168: {  	v11 =	vshll.u32 v11, $0xA;
	v12 =	vshrl.u32 v10, $0x3  }
0x169: {  	v11 =	vbroadcast v11, $0x0;
	v12 =	vmul.u32 $0x2800, v12  }
0x16a: {  	v10 =	vshll.u32 v10, $0x7  }
0x16b: {  	v10 =	vand.u32 $0x380, v10;
	v12 =	vadd.s32 v11, v12  }
0x16c: {  	v10 =	vor.u32 v10, v12  }
0x16d: {  	v10 =	vor.u32 v0, v10;
	_ =	sdelay $0x4  }
0x16e: {  	[tilespmem:v10+s21+$0x0] =	vst.idx.msk $0xffff, v2  }
0x16f: {  	v10 =	vld [tilespmem:s1+$0xFFFFFFD0];
	_ =	sdelay $0x4  }
0x170: {  	v57 =	vshrl.u32 v10, $0x3  }
0x171: {  	v12 =	vmul.u32 $0x2800, v57  }
0x172: {  	v10 =	vshll.u32 v10, $0x7  }
0x173: {  	v10 =	vand.u32 $0x380, v10;
	v12 =	vadd.s32 v11, v12  }
0x174: {  	v10 =	vor.u32 v10, v12  }
0x175: {  	v10 =	vor.u32 v3, v10;
	_ =	sdelay $0x4  }
0x176: {  	[tilespmem:v10+s21+$0x0] =	vst.idx.msk $0xffff, v2  }
0x177: {  	v10 =	vld [tilespmem:s1+$0xFFFFFFE0];
	_ =	sdelay $0x4  }
0x178: {  	v58 =	vshrl.u32 v10, $0x3  }
0x179: {  	v12 =	vmul.u32 $0x2800, v58  }
0x17a: {  	v10 =	vshll.u32 v10, $0x7  }
0x17b: {  	v10 =	vand.u32 $0x380, v10;
	v12 =	vadd.s32 v11, v12  }
0x17c: {  	v10 =	vor.u32 v10, v12  }
0x17d: {  	v10 =	vor.u32 v4, v10;
	_ =	sdelay $0x4  }
0x17e: {  	[tilespmem:v10+s21+$0x0] =	vst.idx.msk $0xffff, v2  }
0x17f: {  	v10 =	vld [tilespmem:s1+$0xFFFFFFF0];
	_ =	sdelay $0x4  }
0x180: {  	v59 =	vshrl.u32 v10, $0x3  }
0x181: {  	v12 =	vmul.u32 $0x2800, v59  }
0x182: {  	v10 =	vshll.u32 v10, $0x7  }
0x183: {  	v10 =	vand.u32 $0x380, v10;
	v12 =	vadd.s32 v11, v12  }
0x184: {  	v10 =	vor.u32 v10, v12  }
0x185: {  	v10 =	vor.u32 v5, v10;
	_ =	sdelay $0x4  }
0x186: {  	[tilespmem:v10+s21+$0x0] =	vst.idx.msk $0xffff, v2  }
0x187: {  	v10 =	vld [tilespmem:s1+$0x0];
	_ =	sdelay $0x4  }
0x188: {  	v60 =	vshrl.u32 v10, $0x3  }
0x189: {  	v12 =	vmul.u32 $0x2800, v60  }
0x18a: {  	v10 =	vshll.u32 v10, $0x7  }
0x18b: {  	v10 =	vand.u32 $0x380, v10;
	v12 =	vadd.s32 v11, v12  }
0x18c: {  	v10 =	vor.u32 v10, v12  }
0x18d: {  	v10 =	vor.u32 v6, v10;
	_ =	sdelay $0x4  }
0x18e: {  	[tilespmem:v10+s21+$0x0] =	vst.idx.msk $0xffff, v2  }
0x18f: {  	v10 =	vld [tilespmem:s1+$0x10];
	_ =	sdelay $0x4  }
0x190: {  	v61 =	vshrl.u32 v10, $0x3  }
0x191: {  	v12 =	vmul.u32 $0x2800, v61  }
0x192: {  	v10 =	vshll.u32 v10, $0x7  }
0x193: {  	v10 =	vand.u32 $0x380, v10;
	v12 =	vadd.s32 v11, v12  }
0x194: {  	v10 =	vor.u32 v10, v12  }
0x195: {  	v10 =	vor.u32 v7, v10;
	_ =	sdelay $0x4  }
0x196: {  	[tilespmem:v10+s21+$0x0] =	vst.idx.msk $0xffff, v2  }
0x197: {  	v10 =	vld [tilespmem:s1+$0x20];
	_ =	sdelay $0x4  }
0x198: {  	v62 =	vshrl.u32 v10, $0x3  }
0x199: {  	v12 =	vmul.u32 $0x2800, v62  }
0x19a: {  	v10 =	vshll.u32 v10, $0x7  }
0x19b: {  	v10 =	vand.u32 $0x380, v10;
	v12 =	vadd.s32 v11, v12  }
0x19c: {  	v10 =	vor.u32 v10, v12  }
0x19d: {  	v10 =	vor.u32 v8, v10;
	_ =	sdelay $0x4  }
0x19e: {  	[tilespmem:v10+s21+$0x0] =	vst.idx.msk $0xffff, v2  }
0x19f: {  	v10 =	vld [tilespmem:s1+$0x30];
	_ =	sdelay $0x4  }
0x1a0: {  	v63 =	vshrl.u32 v10, $0x3  }
0x1a1: {  	v12 =	vmul.u32 $0x2800, v63  }
0x1a2: {  	v10 =	vshll.u32 v10, $0x7  }
0x1a3: {  	v10 =	vand.u32 $0x380, v10;
	v11 =	vadd.s32 v11, v12  }
0x1a4: {  	v10 =	vor.u32 v10, v11  }
0x1a5: {  	p0 =	sne.s32 s0, $0x480;
	v10 =	vor.u32 v9, v10  }
.Ltmp8:
0x1a6: {  	_ = 	snop;
	(pc) =	sbr.rel @p0 .LBB2_13-.Ltmp8, $2  }
0x1a7: {  	_ =	sdelay $0x2  }
0x1a8: {  	s0 =	sadd.s32 $0x80, s0;
	s1 =	sadd.s32 $0x80, s1;
	[tilespmem:v10+s21+$0x0] =	vst.idx.msk $0xffff, v2  }
0x1a9: {  	s0 =	sadd.s32 s30, s9;
	s1 =	sadd.s32 s30, s10  }
0x1aa: {  	[hbm4b:s0+s17] =	stream.strided.scatter [tilespmem:s21], [sflag:$0x2], $0xA000, s18, s17, $0x38;
	[tilespmem:$0x15400] =	vst v63  }
0x1ab: {  	s14 =	sshrl.u32 s1, $0x3  }
0x1ac: {  	s0 =	simm.s32 $0x0;
	s7 =	sadd.s32 s2, s14  }
0x1ad: {  	[tilespmem:s22], [sflag:$0x6] =	stream.linear.gather [hbm4b:s7+s0], $0x500, $0x38;
	[tilespmem:$0x15400] =	vst v63  }
0x1ae: {  	_ =	swait.ge [sflag:s23], $0x500  }
0x1af: {  	[sflag:s23] =	ssyncset.done $0x0  }
0x1b0: {  	[sflag:s23] =	ssyncadd.s32 $0xFFFFFB00  }
0x1b1: {  	_ =	swait.ge [sflag:s24], $0xA000  }
0x1b2: {  	[sflag:s24] =	ssyncset.done $0x0  }
0x1b3: {  	s14 =	simm.s32 $0x14040;
	s7 =	simm.s32 $0x0;
	[sflag:s24] =	ssyncadd.s32 $0xFFFF6000  }
.LBB2_15:
0x1b4: {  	v10 =	vld [tilespmem:s14+$0xFFFFFFC0];
	_ =	sdelay $0x2  }
0x1b5: {  	v11 =	vmov s7  }
0x1b6: {  	v11 =	vshrl.u32 v11, $0x7  }
0x1b7: {  	v11 =	vshll.u32 v11, $0xA;
	v12 =	vshrl.u32 v10, $0x3  }
0x1b8: {  	v11 =	vbroadcast v11, $0x0;
	v12 =	vmul.u32 $0x2800, v12  }
0x1b9: {  	v10 =	vshll.u32 v10, $0x7  }
0x1ba: {  	v10 =	vand.u32 $0x380, v10;
	v12 =	vadd.s32 v11, v12  }
0x1bb: {  	v10 =	vor.u32 v10, v12  }
0x1bc: {  	v10 =	vor.u32 v0, v10;
	_ =	sdelay $0x4  }
0x1bd: {  	[tilespmem:v10+s0+$0x0] =	vst.idx.msk $0xffff, v1  }
0x1be: {  	v10 =	vld [tilespmem:s14+$0xFFFFFFD0];
	_ =	sdelay $0x4  }
0x1bf: {  	v57 =	vshrl.u32 v10, $0x3  }
0x1c0: {  	v12 =	vmul.u32 $0x2800, v57  }
0x1c1: {  	v10 =	vshll.u32 v10, $0x7  }
0x1c2: {  	v10 =	vand.u32 $0x380, v10;
	v12 =	vadd.s32 v11, v12  }
0x1c3: {  	v10 =	vor.u32 v10, v12  }
0x1c4: {  	v10 =	vor.u32 v3, v10;
	_ =	sdelay $0x4  }
0x1c5: {  	[tilespmem:v10+s0+$0x0] =	vst.idx.msk $0xffff, v1  }
0x1c6: {  	v10 =	vld [tilespmem:s14+$0xFFFFFFE0];
	_ =	sdelay $0x4  }
0x1c7: {  	v58 =	vshrl.u32 v10, $0x3  }
0x1c8: {  	v12 =	vmul.u32 $0x2800, v58  }
0x1c9: {  	v10 =	vshll.u32 v10, $0x7  }
0x1ca: {  	v10 =	vand.u32 $0x380, v10;
	v12 =	vadd.s32 v11, v12  }
0x1cb: {  	v10 =	vor.u32 v10, v12  }
0x1cc: {  	v10 =	vor.u32 v4, v10;
	_ =	sdelay $0x4  }
0x1cd: {  	[tilespmem:v10+s0+$0x0] =	vst.idx.msk $0xffff, v1  }
0x1ce: {  	v10 =	vld [tilespmem:s14+$0xFFFFFFF0];
	_ =	sdelay $0x4  }
0x1cf: {  	v59 =	vshrl.u32 v10, $0x3  }
0x1d0: {  	v12 =	vmul.u32 $0x2800, v59  }
0x1d1: {  	v10 =	vshll.u32 v10, $0x7  }
0x1d2: {  	v10 =	vand.u32 $0x380, v10;
	v12 =	vadd.s32 v11, v12  }
0x1d3: {  	v10 =	vor.u32 v10, v12  }
0x1d4: {  	v10 =	vor.u32 v5, v10;
	_ =	sdelay $0x4  }
0x1d5: {  	[tilespmem:v10+s0+$0x0] =	vst.idx.msk $0xffff, v1  }
0x1d6: {  	v10 =	vld [tilespmem:s14+$0x0];
	_ =	sdelay $0x4  }
0x1d7: {  	v60 =	vshrl.u32 v10, $0x3  }
0x1d8: {  	v12 =	vmul.u32 $0x2800, v60  }
0x1d9: {  	v10 =	vshll.u32 v10, $0x7  }
0x1da: {  	v10 =	vand.u32 $0x380, v10;
	v12 =	vadd.s32 v11, v12  }
0x1db: {  	v10 =	vor.u32 v10, v12  }
0x1dc: {  	v10 =	vor.u32 v6, v10;
	_ =	sdelay $0x4  }
0x1dd: {  	[tilespmem:v10+s0+$0x0] =	vst.idx.msk $0xffff, v1  }
0x1de: {  	v10 =	vld [tilespmem:s14+$0x10];
	_ =	sdelay $0x4  }
0x1df: {  	v61 =	vshrl.u32 v10, $0x3  }
0x1e0: {  	v12 =	vmul.u32 $0x2800, v61  }
0x1e1: {  	v10 =	vshll.u32 v10, $0x7  }
0x1e2: {  	v10 =	vand.u32 $0x380, v10;
	v12 =	vadd.s32 v11, v12  }
0x1e3: {  	v10 =	vor.u32 v10, v12  }
0x1e4: {  	v10 =	vor.u32 v7, v10;
	_ =	sdelay $0x4  }
0x1e5: {  	[tilespmem:v10+s0+$0x0] =	vst.idx.msk $0xffff, v1  }
0x1e6: {  	v10 =	vld [tilespmem:s14+$0x20];
	_ =	sdelay $0x4  }
0x1e7: {  	v62 =	vshrl.u32 v10, $0x3  }
0x1e8: {  	v12 =	vmul.u32 $0x2800, v62  }
0x1e9: {  	v10 =	vshll.u32 v10, $0x7  }
0x1ea: {  	v10 =	vand.u32 $0x380, v10;
	v12 =	vadd.s32 v11, v12  }
0x1eb: {  	v10 =	vor.u32 v10, v12  }
0x1ec: {  	v10 =	vor.u32 v8, v10;
	_ =	sdelay $0x4  }
0x1ed: {  	[tilespmem:v10+s0+$0x0] =	vst.idx.msk $0xffff, v1  }
0x1ee: {  	v10 =	vld [tilespmem:s14+$0x30];
	_ =	sdelay $0x4  }
0x1ef: {  	v63 =	vshrl.u32 v10, $0x3  }
0x1f0: {  	v12 =	vmul.u32 $0x2800, v63  }
0x1f1: {  	v10 =	vshll.u32 v10, $0x7  }
0x1f2: {  	v10 =	vand.u32 $0x380, v10;
	v11 =	vadd.s32 v11, v12  }
0x1f3: {  	v10 =	vor.u32 v10, v11  }
0x1f4: {  	p0 =	sne.s32 s7, $0x480;
	v10 =	vor.u32 v9, v10  }
.Ltmp9:
0x1f5: {  	_ = 	snop;
	(pc) =	sbr.rel @p0 .LBB2_15-.Ltmp9, $2  }
0x1f6: {  	_ =	sdelay $0x2  }
0x1f7: {  	s7 =	sadd.s32 $0x80, s7;
	s14 =	sadd.s32 $0x80, s14;
	[tilespmem:v10+s0+$0x0] =	vst.idx.msk $0xffff, v1  }
0x1f8: {  	s14 =	simm.s32 $0x14A40  }
.LBB2_17:
0x1f9: {  	v10 =	vld [tilespmem:s14+$0xFFFFFFC0];
	_ =	sdelay $0x2  }
0x1fa: {  	v11 =	vmov s0  }
0x1fb: {  	v11 =	vshrl.u32 v11, $0x7  }
0x1fc: {  	v11 =	vshll.u32 v11, $0xA;
	v12 =	vshrl.u32 v10, $0x3  }
0x1fd: {  	v11 =	vbroadcast v11, $0x0;
	v12 =	vmul.u32 $0x2800, v12  }
0x1fe: {  	v10 =	vshll.u32 v10, $0x7  }
0x1ff: {  	v10 =	vand.u32 $0x380, v10;
	v12 =	vadd.s32 v11, v12  }
0x200: {  	v10 =	vor.u32 v10, v12  }
0x201: {  	v10 =	vor.u32 v0, v10;
	_ =	sdelay $0x4  }
0x202: {  	[tilespmem:v10+s4+$0x0] =	vst.idx.msk $0xffff, v2  }
0x203: {  	v10 =	vld [tilespmem:s14+$0xFFFFFFD0];
	_ =	sdelay $0x4  }
0x204: {  	v57 =	vshrl.u32 v10, $0x3  }
0x205: {  	v12 =	vmul.u32 $0x2800, v57  }
0x206: {  	v10 =	vshll.u32 v10, $0x7  }
0x207: {  	v10 =	vand.u32 $0x380, v10;
	v12 =	vadd.s32 v11, v12  }
0x208: {  	v10 =	vor.u32 v10, v12  }
0x209: {  	v10 =	vor.u32 v3, v10;
	_ =	sdelay $0x4  }
0x20a: {  	[tilespmem:v10+s4+$0x0] =	vst.idx.msk $0xffff, v2  }
0x20b: {  	v10 =	vld [tilespmem:s14+$0xFFFFFFE0];
	_ =	sdelay $0x4  }
0x20c: {  	v58 =	vshrl.u32 v10, $0x3  }
0x20d: {  	v12 =	vmul.u32 $0x2800, v58  }
0x20e: {  	v10 =	vshll.u32 v10, $0x7  }
0x20f: {  	v10 =	vand.u32 $0x380, v10;
	v12 =	vadd.s32 v11, v12  }
0x210: {  	v10 =	vor.u32 v10, v12  }
0x211: {  	v10 =	vor.u32 v4, v10;
	_ =	sdelay $0x4  }
0x212: {  	[tilespmem:v10+s4+$0x0] =	vst.idx.msk $0xffff, v2  }
0x213: {  	v10 =	vld [tilespmem:s14+$0xFFFFFFF0];
	_ =	sdelay $0x4  }
0x214: {  	v59 =	vshrl.u32 v10, $0x3  }
0x215: {  	v12 =	vmul.u32 $0x2800, v59  }
0x216: {  	v10 =	vshll.u32 v10, $0x7  }
0x217: {  	v10 =	vand.u32 $0x380, v10;
	v12 =	vadd.s32 v11, v12  }
0x218: {  	v10 =	vor.u32 v10, v12  }
0x219: {  	v10 =	vor.u32 v5, v10;
	_ =	sdelay $0x4  }
0x21a: {  	[tilespmem:v10+s4+$0x0] =	vst.idx.msk $0xffff, v2  }
0x21b: {  	v10 =	vld [tilespmem:s14+$0x0];
	_ =	sdelay $0x4  }
0x21c: {  	v60 =	vshrl.u32 v10, $0x3  }
0x21d: {  	v12 =	vmul.u32 $0x2800, v60  }
0x21e: {  	v10 =	vshll.u32 v10, $0x7  }
0x21f: {  	v10 =	vand.u32 $0x380, v10;
	v12 =	vadd.s32 v11, v12  }
0x220: {  	v10 =	vor.u32 v10, v12  }
0x221: {  	v10 =	vor.u32 v6, v10;
	_ =	sdelay $0x4  }
0x222: {  	[tilespmem:v10+s4+$0x0] =	vst.idx.msk $0xffff, v2  }
0x223: {  	v10 =	vld [tilespmem:s14+$0x10];
	_ =	sdelay $0x4  }
0x224: {  	v61 =	vshrl.u32 v10, $0x3  }
0x225: {  	v12 =	vmul.u32 $0x2800, v61  }
0x226: {  	v10 =	vshll.u32 v10, $0x7  }
0x227: {  	v10 =	vand.u32 $0x380, v10;
	v12 =	vadd.s32 v11, v12  }
0x228: {  	v10 =	vor.u32 v10, v12  }
0x229: {  	v10 =	vor.u32 v7, v10;
	_ =	sdelay $0x4  }
0x22a: {  	[tilespmem:v10+s4+$0x0] =	vst.idx.msk $0xffff, v2  }
0x22b: {  	v10 =	vld [tilespmem:s14+$0x20];
	_ =	sdelay $0x4  }
0x22c: {  	v62 =	vshrl.u32 v10, $0x3  }
0x22d: {  	v12 =	vmul.u32 $0x2800, v62  }
0x22e: {  	v10 =	vshll.u32 v10, $0x7  }
0x22f: {  	v10 =	vand.u32 $0x380, v10;
	v12 =	vadd.s32 v11, v12  }
0x230: {  	v10 =	vor.u32 v10, v12  }
0x231: {  	v10 =	vor.u32 v8, v10;
	_ =	sdelay $0x4  }
0x232: {  	[tilespmem:v10+s4+$0x0] =	vst.idx.msk $0xffff, v2  }
0x233: {  	v10 =	vld [tilespmem:s14+$0x30];
	_ =	sdelay $0x4  }
0x234: {  	v63 =	vshrl.u32 v10, $0x3  }
0x235: {  	v12 =	vmul.u32 $0x2800, v63  }
0x236: {  	v10 =	vshll.u32 v10, $0x7  }
0x237: {  	v10 =	vand.u32 $0x380, v10;
	v11 =	vadd.s32 v11, v12  }
0x238: {  	v10 =	vor.u32 v10, v11  }
0x239: {  	p0 =	sne.s32 s0, $0x480;
	v10 =	vor.u32 v9, v10  }
.Ltmp10:
0x23a: {  	_ = 	snop;
	(pc) =	sbr.rel @p0 .LBB2_17-.Ltmp10, $2  }
0x23b: {  	_ =	sdelay $0x2  }
0x23c: {  	s0 =	sadd.s32 $0x80, s0;
	s14 =	sadd.s32 $0x80, s14;
	[tilespmem:v10+s4+$0x0] =	vst.idx.msk $0xffff, v2  }
0x23d: {  	s0 =	sadd.s32 s3, s31;
	p0 =	seq.s32 s29, $0x9  }
0x23e: {  	[hbm4b:s0+s17] =	stream.strided.scatter [tilespmem:s4], [sflag:$0x1], $0xA000, s18, s17, $0x38;
	[tilespmem:$0x15400] =	vst v63  }
0x23f: {  	s0 =	sadd.s32 @!p0 s30, s11  }
0x240: {  	s0 =	sshrl.u32 @!p0 s0, $0x3  }
0x241: {  	s7 =	simm.s32 @!p0 $0x0;
	s13 =	simm.s32 @!p0 $0x14000;
	s0 =	sadd.s32 @!p0 s2, s0  }
0x242: {  	[tilespmem:s13], [sflag:$0x3] =	stream.linear.gather @!p0 [hbm4b:s0+s7], $0x500, $0x38;
	[tilespmem:$0x15400] =	vst v63  }
0x243: {  	_ =	swait.ge [sflag:s25], $0x500  }
0x244: {  	[sflag:s25] =	ssyncset.done $0x0  }
0x245: {  	[sflag:s25] =	ssyncadd.s32 $0xFFFFFB00  }
0x246: {  	_ =	swait.ge [sflag:s26], $0xA000  }
0x247: {  	s14 =	simm.s32 $0x14540;
	[sflag:s26] =	ssyncset.done $0x0  }
0x248: {  	s0 =	simm.s32 $0x0;
	s7 =	simm.s32 $0x0;
	[sflag:s26] =	ssyncadd.s32 $0xFFFF6000  }
.LBB2_19:
0x249: {  	v10 =	vld [tilespmem:s14+$0xFFFFFFC0];
	_ =	sdelay $0x2  }
0x24a: {  	v11 =	vmov s7  }
0x24b: {  	v11 =	vshrl.u32 v11, $0x7  }
0x24c: {  	v11 =	vshll.u32 v11, $0xA;
	v12 =	vshrl.u32 v10, $0x3  }
0x24d: {  	v11 =	vbroadcast v11, $0x0;
	v12 =	vmul.u32 $0x2800, v12  }
0x24e: {  	v10 =	vshll.u32 v10, $0x7  }
0x24f: {  	v10 =	vand.u32 $0x380, v10;
	v12 =	vadd.s32 v11, v12  }
0x250: {  	v10 =	vor.u32 v10, v12  }
0x251: {  	v10 =	vor.u32 v0, v10;
	_ =	sdelay $0x4  }
0x252: {  	[tilespmem:v10+s21+$0x0] =	vst.idx.msk $0xffff, v1  }
0x253: {  	v10 =	vld [tilespmem:s14+$0xFFFFFFD0];
	_ =	sdelay $0x4  }
0x254: {  	v57 =	vshrl.u32 v10, $0x3  }
0x255: {  	v12 =	vmul.u32 $0x2800, v57  }
0x256: {  	v10 =	vshll.u32 v10, $0x7  }
0x257: {  	v10 =	vand.u32 $0x380, v10;
	v12 =	vadd.s32 v11, v12  }
0x258: {  	v10 =	vor.u32 v10, v12  }
0x259: {  	v10 =	vor.u32 v3, v10;
	_ =	sdelay $0x4  }
0x25a: {  	[tilespmem:v10+s21+$0x0] =	vst.idx.msk $0xffff, v1  }
0x25b: {  	v10 =	vld [tilespmem:s14+$0xFFFFFFE0];
	_ =	sdelay $0x4  }
0x25c: {  	v58 =	vshrl.u32 v10, $0x3  }
0x25d: {  	v12 =	vmul.u32 $0x2800, v58  }
0x25e: {  	v10 =	vshll.u32 v10, $0x7  }
0x25f: {  	v10 =	vand.u32 $0x380, v10;
	v12 =	vadd.s32 v11, v12  }
0x260: {  	v10 =	vor.u32 v10, v12  }
0x261: {  	v10 =	vor.u32 v4, v10;
	_ =	sdelay $0x4  }
0x262: {  	[tilespmem:v10+s21+$0x0] =	vst.idx.msk $0xffff, v1  }
0x263: {  	v10 =	vld [tilespmem:s14+$0xFFFFFFF0];
	_ =	sdelay $0x4  }
0x264: {  	v59 =	vshrl.u32 v10, $0x3  }
0x265: {  	v12 =	vmul.u32 $0x2800, v59  }
0x266: {  	v10 =	vshll.u32 v10, $0x7  }
0x267: {  	v10 =	vand.u32 $0x380, v10;
	v12 =	vadd.s32 v11, v12  }
0x268: {  	v10 =	vor.u32 v10, v12  }
0x269: {  	v10 =	vor.u32 v5, v10;
	_ =	sdelay $0x4  }
0x26a: {  	[tilespmem:v10+s21+$0x0] =	vst.idx.msk $0xffff, v1  }
0x26b: {  	v10 =	vld [tilespmem:s14+$0x0];
	_ =	sdelay $0x4  }
0x26c: {  	v60 =	vshrl.u32 v10, $0x3  }
0x26d: {  	v12 =	vmul.u32 $0x2800, v60  }
0x26e: {  	v10 =	vshll.u32 v10, $0x7  }
0x26f: {  	v10 =	vand.u32 $0x380, v10;
	v12 =	vadd.s32 v11, v12  }
0x270: {  	v10 =	vor.u32 v10, v12  }
0x271: {  	v10 =	vor.u32 v6, v10;
	_ =	sdelay $0x4  }
0x272: {  	[tilespmem:v10+s21+$0x0] =	vst.idx.msk $0xffff, v1  }
0x273: {  	v10 =	vld [tilespmem:s14+$0x10];
	_ =	sdelay $0x4  }
0x274: {  	v61 =	vshrl.u32 v10, $0x3  }
0x275: {  	v12 =	vmul.u32 $0x2800, v61  }
0x276: {  	v10 =	vshll.u32 v10, $0x7  }
0x277: {  	v10 =	vand.u32 $0x380, v10;
	v12 =	vadd.s32 v11, v12  }
0x278: {  	v10 =	vor.u32 v10, v12  }
0x279: {  	v10 =	vor.u32 v7, v10;
	_ =	sdelay $0x4  }
0x27a: {  	[tilespmem:v10+s21+$0x0] =	vst.idx.msk $0xffff, v1  }
0x27b: {  	v10 =	vld [tilespmem:s14+$0x20];
	_ =	sdelay $0x4  }
0x27c: {  	v62 =	vshrl.u32 v10, $0x3  }
0x27d: {  	v12 =	vmul.u32 $0x2800, v62  }
0x27e: {  	v10 =	vshll.u32 v10, $0x7  }
0x27f: {  	v10 =	vand.u32 $0x380, v10;
	v12 =	vadd.s32 v11, v12  }
0x280: {  	v10 =	vor.u32 v10, v12  }
0x281: {  	v10 =	vor.u32 v8, v10;
	_ =	sdelay $0x4  }
0x282: {  	[tilespmem:v10+s21+$0x0] =	vst.idx.msk $0xffff, v1  }
0x283: {  	v10 =	vld [tilespmem:s14+$0x30];
	_ =	sdelay $0x4  }
0x284: {  	v63 =	vshrl.u32 v10, $0x3  }
0x285: {  	v12 =	vmul.u32 $0x2800, v63  }
0x286: {  	v10 =	vshll.u32 v10, $0x7  }
0x287: {  	v10 =	vand.u32 $0x380, v10;
	v11 =	vadd.s32 v11, v12  }
0x288: {  	v10 =	vor.u32 v10, v11  }
0x289: {  	p1 =	sne.s32 s7, $0x480;
	v10 =	vor.u32 v9, v10  }
.Ltmp11:
0x28a: {  	_ = 	snop;
	(pc) =	sbr.rel @p1 .LBB2_19-.Ltmp11, $2  }
0x28b: {  	_ =	sdelay $0x2  }
0x28c: {  	s7 =	sadd.s32 $0x80, s7;
	s14 =	sadd.s32 $0x80, s14;
	[tilespmem:v10+s21+$0x0] =	vst.idx.msk $0xffff, v1  }
0x28d: {  	s14 =	simm.s32 $0x14F40  }
.LBB2_21:
0x28e: {  	v10 =	vld [tilespmem:s14+$0xFFFFFFC0];
	_ =	sdelay $0x2  }
0x28f: {  	v11 =	vmov s0  }
0x290: {  	v11 =	vshrl.u32 v11, $0x7  }
0x291: {  	v11 =	vshll.u32 v11, $0xA;
	v12 =	vshrl.u32 v10, $0x3  }
0x292: {  	v11 =	vbroadcast v11, $0x0;
	v12 =	vmul.u32 $0x2800, v12  }
0x293: {  	v10 =	vshll.u32 v10, $0x7  }
0x294: {  	v10 =	vand.u32 $0x380, v10;
	v12 =	vadd.s32 v11, v12  }
0x295: {  	v10 =	vor.u32 v10, v12  }
0x296: {  	v10 =	vor.u32 v0, v10;
	_ =	sdelay $0x4  }
0x297: {  	[tilespmem:v10+s21+$0x0] =	vst.idx.msk $0xffff, v2  }
0x298: {  	v10 =	vld [tilespmem:s14+$0xFFFFFFD0];
	_ =	sdelay $0x4  }
0x299: {  	v57 =	vshrl.u32 v10, $0x3  }
0x29a: {  	v12 =	vmul.u32 $0x2800, v57  }
0x29b: {  	v10 =	vshll.u32 v10, $0x7  }
0x29c: {  	v10 =	vand.u32 $0x380, v10;
	v12 =	vadd.s32 v11, v12  }
0x29d: {  	v10 =	vor.u32 v10, v12  }
0x29e: {  	v10 =	vor.u32 v3, v10;
	_ =	sdelay $0x4  }
0x29f: {  	[tilespmem:v10+s21+$0x0] =	vst.idx.msk $0xffff, v2  }
0x2a0: {  	v10 =	vld [tilespmem:s14+$0xFFFFFFE0];
	_ =	sdelay $0x4  }
0x2a1: {  	v58 =	vshrl.u32 v10, $0x3  }
0x2a2: {  	v12 =	vmul.u32 $0x2800, v58  }
0x2a3: {  	v10 =	vshll.u32 v10, $0x7  }
0x2a4: {  	v10 =	vand.u32 $0x380, v10;
	v12 =	vadd.s32 v11, v12  }
0x2a5: {  	v10 =	vor.u32 v10, v12  }
0x2a6: {  	v10 =	vor.u32 v4, v10;
	_ =	sdelay $0x4  }
0x2a7: {  	[tilespmem:v10+s21+$0x0] =	vst.idx.msk $0xffff, v2  }
0x2a8: {  	v10 =	vld [tilespmem:s14+$0xFFFFFFF0];
	_ =	sdelay $0x4  }
0x2a9: {  	v59 =	vshrl.u32 v10, $0x3  }
0x2aa: {  	v12 =	vmul.u32 $0x2800, v59  }
0x2ab: {  	v10 =	vshll.u32 v10, $0x7  }
0x2ac: {  	v10 =	vand.u32 $0x380, v10;
	v12 =	vadd.s32 v11, v12  }
0x2ad: {  	v10 =	vor.u32 v10, v12  }
0x2ae: {  	v10 =	vor.u32 v5, v10;
	_ =	sdelay $0x4  }
0x2af: {  	[tilespmem:v10+s21+$0x0] =	vst.idx.msk $0xffff, v2  }
0x2b0: {  	v10 =	vld [tilespmem:s14+$0x0];
	_ =	sdelay $0x4  }
0x2b1: {  	v60 =	vshrl.u32 v10, $0x3  }
0x2b2: {  	v12 =	vmul.u32 $0x2800, v60  }
0x2b3: {  	v10 =	vshll.u32 v10, $0x7  }
0x2b4: {  	v10 =	vand.u32 $0x380, v10;
	v12 =	vadd.s32 v11, v12  }
0x2b5: {  	v10 =	vor.u32 v10, v12  }
0x2b6: {  	v10 =	vor.u32 v6, v10;
	_ =	sdelay $0x4  }
0x2b7: {  	[tilespmem:v10+s21+$0x0] =	vst.idx.msk $0xffff, v2  }
0x2b8: {  	v10 =	vld [tilespmem:s14+$0x10];
	_ =	sdelay $0x4  }
0x2b9: {  	v61 =	vshrl.u32 v10, $0x3  }
0x2ba: {  	v12 =	vmul.u32 $0x2800, v61  }
0x2bb: {  	v10 =	vshll.u32 v10, $0x7  }
0x2bc: {  	v10 =	vand.u32 $0x380, v10;
	v12 =	vadd.s32 v11, v12  }
0x2bd: {  	v10 =	vor.u32 v10, v12  }
0x2be: {  	v10 =	vor.u32 v7, v10;
	_ =	sdelay $0x4  }
0x2bf: {  	[tilespmem:v10+s21+$0x0] =	vst.idx.msk $0xffff, v2  }
0x2c0: {  	v10 =	vld [tilespmem:s14+$0x20];
	_ =	sdelay $0x4  }
0x2c1: {  	v62 =	vshrl.u32 v10, $0x3  }
0x2c2: {  	v12 =	vmul.u32 $0x2800, v62  }
0x2c3: {  	v10 =	vshll.u32 v10, $0x7  }
0x2c4: {  	v10 =	vand.u32 $0x380, v10;
	v12 =	vadd.s32 v11, v12  }
0x2c5: {  	v10 =	vor.u32 v10, v12  }
0x2c6: {  	v10 =	vor.u32 v8, v10;
	_ =	sdelay $0x4  }
0x2c7: {  	[tilespmem:v10+s21+$0x0] =	vst.idx.msk $0xffff, v2  }
0x2c8: {  	v10 =	vld [tilespmem:s14+$0x30];
	_ =	sdelay $0x4  }
0x2c9: {  	v63 =	vshrl.u32 v10, $0x3  }
0x2ca: {  	v12 =	vmul.u32 $0x2800, v63  }
0x2cb: {  	v10 =	vshll.u32 v10, $0x7  }
0x2cc: {  	v10 =	vand.u32 $0x380, v10;
	v11 =	vadd.s32 v11, v12  }
0x2cd: {  	v10 =	vor.u32 v10, v11  }
0x2ce: {  	p1 =	sne.s32 s0, $0x480;
	v10 =	vor.u32 v9, v10  }
.Ltmp12:
0x2cf: {  	_ = 	snop;
	(pc) =	sbr.rel @p1 .LBB2_21-.Ltmp12, $2  }
0x2d0: {  	_ =	sdelay $0x2  }
0x2d1: {  	s0 =	sadd.s32 $0x80, s0;
	s14 =	sadd.s32 $0x80, s14;
	[tilespmem:v10+s21+$0x0] =	vst.idx.msk $0xffff, v2  }
.Ltmp13:
0x2d2: {  	(pc) =	sbr.rel @p0 .LBB2_24-.Ltmp13, $3  }
0x2d3: {  	_ =	sdelay $0x1  }
0x2d4: {  	s0 =	sadd.s32 s3, s1  }
0x2d5: {  	[hbm4b:s0+s17] =	stream.strided.scatter [tilespmem:s21], [sflag:$0x2], $0xA000, s18, s17, $0x38;
	[tilespmem:$0x15400] =	vst v63  }
.Ltmp14:
0x2d6: {  	(pc) =	sbr.rel .LBB2_4-.Ltmp14, $4  }
0x2d7: {  	s0 =	sadd.s32 s30, s12  }
0x2d8: {  	s0 =	sshrl.u32 s0, $0x3  }
0x2d9: {  	s29 =	sadd.s32 $0x1, s29;
	s0 =	sadd.s32 s2, s0  }
0x2da: {  	[tilespmem:s15], [sflag:$0x4] =	stream.linear.gather [hbm4b:s0+s4], $0x500, $0x38;
	[tilespmem:$0x15400] =	vst v63  }
.LBB2_25:
0x2db: {  	_ =	sfence.sel $0x180000  }
0x2dc: {  	[bflag:$0x0] =	sbarrier.arrive $0xFFFF  }
0x2dd: {  	_ =	strace $0x90000047  }
0x2de: {  	s0 =	stileid.u32;
	[bflag:$0x2] =	sbarrier.arrive $0xFFFF  }
0x2df: {  	p0 =	sne.s32 s0, $0x0;
	s0 =	rddreg [dreg:$0x2]  }
0x2e0: {  	s0 =	sadd.s32 @!p0 $0x100000, s0  }
0x2e1: {  	[sflag:s0] =	ssyncadd.tile.s32 @!p0 $0x1;
	_ =	shalt  }
.Lfunc_end2:
_tile_overlayer_lowered:
.L_overlay_start_2:
0x2e2: {  	(tag) =	ssettag $0x2  }
0x2e3: {  	s0 =	rddreg [dreg:$0x0];
	s2 =	stileid.u32  }
0x2e4: {  	s1 =	rddreg [dreg:$0x1];
	p0 =	sne.s32 s2, $0x0  }
0x2e5: {  	s3 =	rddreg [dreg:$0x2];
	[bflag:$0x3] =	sbarrier.arrive $0xFFFF;
	s2 =	simm.s32 @!p0 $0x1C07  }
0x2e6: {  	[timem:s3], [sflag:s2] =	dma.local @!p0 [hbm:s0], s1  }
0x2e7: {  	s0 =	simm.s32 @!p0 $0x7  }
0x2e8: {  	_ =	swait.ge @!p0 [sflag:s0], s1  }
0x2e9: {  	s1 =	ssub.s32 @!p0 $0x0, s1;
	[sflag:s0] =	ssyncset.done @!p0 $0x0  }
0x2ea: {  	[sflag:s0] =	ssyncadd.s32 @!p0 s1  }
0x2eb: {  	[bflag:$0x3] =	sbarrier.arrive $0xFFFF  }
0x2ec: {  	_ =	shalt  }

</sc_bundles>
